<compile_context>
chip_gen: v7x
topology: tpu7x:2x2x1
jax: 0.10.2.dev20260603
libtpu: 0.0.44.dev20260713+nightly
codegen_flags: <defaults>
</compile_context>

<pallas_src>
import functools

import jax
import jax.numpy as jnp
from jax import lax
from jax.experimental import pallas as pl
from jax.experimental.pallas import tpu as pltpu
from jax.experimental.pallas import tpu_sc as plsc

K = 2
SCALE = 2.5
B, H, E, I, SI = 32, 1024, 64, 512, 2048


def _routing_body(x_ref, rw_ref, tki_ref, tkw_ref):
    x = x_ref[...]
    logits = jnp.dot(x, rw_ref[...], preferred_element_type=jnp.float32)
    m = jnp.max(logits, axis=1, keepdims=True)
    p = jnp.exp(logits - m)
    scores = p / jnp.sum(p, axis=1, keepdims=True)

    e_iota = jax.lax.broadcasted_iota(jnp.int32, (B, E), 1)
    m1 = jnp.max(scores, axis=1, keepdims=True)
    i1 = jnp.min(jnp.where(scores == m1, e_iota, E), axis=1, keepdims=True)
    sc2 = jnp.where(e_iota == i1, -jnp.inf, scores)
    m2 = jnp.max(sc2, axis=1, keepdims=True)
    i2 = jnp.min(jnp.where(sc2 == m2, e_iota, E), axis=1, keepdims=True)

    denom = m1 + m2 + 1e-20
    w1 = m1 / denom * SCALE
    w2 = m2 / denom * SCALE
    tki_ref[...] = jnp.concatenate([i1, i2], axis=1)
    tkw_ref[...] = jnp.concatenate([w1, w2], axis=1)


def _sc_compact_body(tki_hbm, ids_hbm, nact_hbm, tki_v, act_v, rank_v,
                     ids_v, nact_v):
    c = lax.axis_index("c")
    s = lax.axis_index("s")

    @pl.when((c == 0) & (s == 0))
    def _():
        pltpu.sync_copy(tki_hbm, tki_v)
        iota = lax.broadcasted_iota(jnp.int32, (16,), 0)
        zero = jnp.zeros((16,), jnp.int32)
        ones = jnp.ones((16,), jnp.int32)

        for ch in range(E // 16):
            act_v[pl.ds(16 * ch, 16)] = zero
        for cs in range(B * K // 16):
            sel = tki_v[pl.ds(16 * cs, 16)]
            plsc.addupdate_scatter(act_v, [sel], ones)

        carry = jnp.int32(0)
        last = jnp.int32(-1)
        for ch in range(E // 16):
            a = jnp.where(act_v[pl.ds(16 * ch, 16)] > 0, 1, 0)
            cs_ = plsc.cumsum(a)
            rank_v[pl.ds(16 * ch, 16)] = cs_ - a + carry
            e_ids = iota + 16 * ch
            last = jnp.maximum(last, jnp.max(jnp.where(a > 0, e_ids, -1)))
            carry = carry + jnp.sum(a)

        for ch in range(E // 16):
            ids_v[pl.ds(16 * ch, 16)] = zero + last
        for ch in range(E // 16):
            a = act_v[pl.ds(16 * ch, 16)] > 0
            rk = rank_v[pl.ds(16 * ch, 16)]
            e_ids = iota + 16 * ch
            plsc.store_scatter(ids_v, [rk], e_ids, mask=a)
        nact_v[...] = zero + carry
        pltpu.sync_copy(ids_v, ids_hbm)
        pltpu.sync_copy(nact_v, nact_hbm)


def _shared_body(x_ref, sgw_ref, suw_ref, sdw_ref, out_ref):
    x = x_ref[...].astype(jnp.bfloat16)
    sg = jnp.dot(x, sgw_ref[...].astype(jnp.bfloat16),
                 preferred_element_type=jnp.float32)
    su = jnp.dot(x, suw_ref[...].astype(jnp.bfloat16),
                 preferred_element_type=jnp.float32)
    act = (sg * jax.lax.logistic(sg) * su).astype(jnp.bfloat16)
    out_ref[...] = jnp.dot(act, sdw_ref[...].astype(jnp.bfloat16),
                           preferred_element_type=jnp.float32)


def _expert_body(ids_ref, nact_ref, x_ref, gw_ref, uw_ref, dw_ref,
                 tki_ref, tkw_ref, shared_ref, out_ref):
    i = pl.program_id(0)

    @pl.when(i == 0)
    def _init():
        out_ref[...] = shared_ref[...]

    @pl.when(i < nact_ref[0])
    def _expert():
        e = ids_ref[i]
        x = x_ref[...].astype(jnp.bfloat16)
        g = jnp.dot(x, gw_ref[0].astype(jnp.bfloat16),
                    preferred_element_type=jnp.float32)
        u = jnp.dot(x, uw_ref[0].astype(jnp.bfloat16),
                    preferred_element_type=jnp.float32)
        a = (g * jax.lax.logistic(g) * u).astype(jnp.bfloat16)
        y = jnp.dot(a, dw_ref[0].astype(jnp.bfloat16),
                    preferred_element_type=jnp.float32)
        coef = jnp.sum(jnp.where(tki_ref[...] == e, tkw_ref[...], 0.0),
                       axis=1, keepdims=True)
        out_ref[...] += y * coef


@jax.jit
def kernel(hidden_states, router_w, e_score_correction_bias, gate_w, up_w,
           down_w, shared_gate_w, shared_up_w, shared_down_w):
    del e_score_correction_bias
    x = hidden_states.reshape(B, H)

    tki, tkw = pl.pallas_call(
        _routing_body,
        out_shape=(
            jax.ShapeDtypeStruct((B, K), jnp.int32),
            jax.ShapeDtypeStruct((B, K), jnp.float32),
        ),
    )(x, router_w)

    sc_compact = functools.partial(
        pl.kernel,
        out_type=(
            jax.ShapeDtypeStruct((E,), jnp.int32),
            jax.ShapeDtypeStruct((16,), jnp.int32),
        ),
        mesh=plsc.VectorSubcoreMesh(core_axis_name="c", subcore_axis_name="s"),
        compiler_params=pltpu.CompilerParams(needs_layout_passes=False),
        scratch_types=[
            pltpu.VMEM((B * K,), jnp.int32),
            pltpu.VMEM((E,), jnp.int32),
            pltpu.VMEM((E,), jnp.int32),
            pltpu.VMEM((E,), jnp.int32),
            pltpu.VMEM((16,), jnp.int32),
        ],
    )(_sc_compact_body)
    ids, nact16 = sc_compact(tki.reshape(B * K))
    nact = nact16[:1]

    shared_out = pl.pallas_call(
        _shared_body,
        out_shape=jax.ShapeDtypeStruct((B, H), jnp.float32),
    )(x, shared_gate_w, shared_up_w, shared_down_w)

    grid_spec = pltpu.PrefetchScalarGridSpec(
        num_scalar_prefetch=2,
        grid=(E,),
        in_specs=[
            pl.BlockSpec((B, H), lambda i, ids, nact: (0, 0)),
            pl.BlockSpec((1, H, I), lambda i, ids, nact: (ids[i], 0, 0)),
            pl.BlockSpec((1, H, I), lambda i, ids, nact: (ids[i], 0, 0)),
            pl.BlockSpec((1, I, H), lambda i, ids, nact: (ids[i], 0, 0)),
            pl.BlockSpec((B, K), lambda i, ids, nact: (0, 0)),
            pl.BlockSpec((B, K), lambda i, ids, nact: (0, 0)),
            pl.BlockSpec((B, H), lambda i, ids, nact: (0, 0)),
        ],
        out_specs=pl.BlockSpec((B, H), lambda i, ids, nact: (0, 0)),
    )
    out = pl.pallas_call(
        _expert_body,
        grid_spec=grid_spec,
        out_shape=jax.ShapeDtypeStruct((B, H), jnp.float32),
        compiler_params=pltpu.CompilerParams(
            dimension_semantics=("arbitrary",),
        ),
    )(ids, nact, x, gate_w, up_w, down_w, tki, tkw, shared_out)

    return out.reshape(B, 1, H)

# --- scband reference (transcript-rebuilt; emitter-appended) ---
"""Pipeline reference for scband-mo-elayer-24275155157558 (READ-ONLY COPY).

The authoritative reference and input builder live on the scoring server;
editing this copy changes nothing except your own understanding.
"""

import jax, jax.numpy as jnp
import numpy as np

K = 2
SCALE = 2.5

def setup_inputs(seed: int = 0):
    key = jax.random.key(seed)
    ks = jax.random.split(key, 9)
    B, S, H, E, I, SI = 32, 1, 1024, 64, 512, 2048
    return {
        "hidden_states": jax.random.normal(ks[0], (B, S, H), dtype=jnp.float32),
        "router_w": jax.random.normal(ks[1], (H, E), dtype=jnp.float32) * 0.02,
        "e_score_correction_bias": jnp.zeros((), dtype=jnp.float32),
        "gate_w": jax.random.normal(ks[2], (E, H, I), dtype=jnp.float32) * 0.02,
        "up_w": jax.random.normal(ks[3], (E, H, I), dtype=jnp.float32) * 0.02,
        "down_w": jax.random.normal(ks[4], (E, I, H), dtype=jnp.float32) * 0.02,
        "shared_gate_w": jax.random.normal(ks[5], (H, SI), dtype=jnp.float32) * 0.02,
        "shared_up_w": jax.random.normal(ks[6], (H, SI), dtype=jnp.float32) * 0.02,
        "shared_down_w": jax.random.normal(ks[7], (SI, H), dtype=jnp.float32) * 0.02,
    }

def _moe_forward(hidden_states, router_w, e_score_correction_bias, gate_w, up_w, down_w, shared_gate_w, shared_up_w, shared_down_w):
    B, S, H = hidden_states.shape
    # MoEGate: router logits -> softmax -> bias-corrected top-k -> renormalized weights
    logits = jnp.einsum('bsh,he->bse', hidden_states, router_w).astype(jnp.float32)
    scores = jax.nn.softmax(logits, axis=-1)
    corrected = scores + e_score_correction_bias
    _, top_k_indices = jax.lax.top_k(corrected, K)
    top_k_weights = jnp.take_along_axis(scores, top_k_indices, axis=-1)
    # norm_topk_prob=True
    top_k_weights = top_k_weights / (top_k_weights.sum(axis=-1, keepdims=True) + 1e-20)
    top_k_weights = (top_k_weights * SCALE).astype(hidden_states.dtype)
    hidden_flat = hidden_states.reshape(-1, H)
    tk_w = top_k_weights.reshape(-1, K)
    tk_i = top_k_indices.reshape(-1, K)
    # _topk_local_forward: K gathers of per-token expert weights + grouped GEMMs
    output = jnp.zeros_like(hidden_flat)
    for k in range(K):
        expert_ids = tk_i[:, k]
        weights_k = tk_w[:, k]
        g_w = gate_w[expert_ids]
        u_w = up_w[expert_ids]
        d_w = down_w[expert_ids]
        gate_out = jnp.einsum('nh,nhi->ni', hidden_flat, g_w)
        up_out = jnp.einsum('nh,nhi->ni', hidden_flat, u_w)
        activated = jax.nn.silu(gate_out) * up_out
        expert_out = jnp.einsum('ni,nih->nh', activated, d_w)
        output = output + expert_out * weights_k[:, None]
    routed = output.reshape(B, S, H)
    # SharedExpertMLP (always active)
    sg = jnp.einsum('bsh,hi->bsi', hidden_states, shared_gate_w)
    su = jnp.einsum('bsh,hi->bsi', hidden_states, shared_up_w)
    shared = jnp.einsum('bsi,ih->bsh', jax.nn.silu(sg) * su, shared_down_w)
    return routed + shared

def reference(hidden_states, router_w, e_score_correction_bias, gate_w, up_w, down_w, shared_gate_w, shared_up_w, shared_down_w):
    return _moe_forward(hidden_states, router_w, e_score_correction_bias, gate_w, up_w, down_w, shared_gate_w, shared_up_w, shared_down_w)

if __name__ == "__main__":
    import jax
    _d = setup_inputs()
    print(jax.jit(kernel)(*tuple(_d.values())))

</pallas_src>

<mosaic_0001>
#map = affine_map<(d0, d1) -> (0)>
module attributes {stable_mosaic.version = 14 : i64} {
  func.func @_sc_compact_body(%arg0: i32, %arg1: i32, %arg2: memref<64xi32, #tpu.memory_space<hbm>>, %arg3: memref<64xi32, #tpu.memory_space<hbm>>, %arg4: memref<16xi32, #tpu.memory_space<hbm>>, %arg5: memref<64xi32, #tpu.memory_space<vmem>>, %arg6: memref<64xi32, #tpu.memory_space<vmem>>, %arg7: memref<64xi32, #tpu.memory_space<vmem>>, %arg8: memref<64xi32, #tpu.memory_space<vmem>>, %arg9: memref<16xi32, #tpu.memory_space<vmem>>) attributes {dimension_semantics = [#tpu.dimension_semantics<core_parallel>, #tpu.dimension_semantics<subcore_parallel>], iteration_bounds = array<i64: 2, 16>, scalar_prefetch = 0 : i64, scratch_operands = 5 : i64, tpu.core_type = #tpu.core_type<sc_vector_subcore>, window_params = [{transform_indices = #map}, {transform_indices = #map}, {transform_indices = #map}]} {
    %eq3A = arith.constant 0 : i32
    %eq3A_0 = arith.cmpi eq, %arg0, %eq3A : i32
    %eq3A_1 = arith.constant 0 : i32
    %eq3A_2 = arith.cmpi eq, %arg1, %eq3A_1 : i32
    %and3A = arith.andi %eq3A_0, %eq3A_2 : i1
    %convert_element_type3A = arith.extui %and3A : i1 to i32
    %cond3A = arith.constant 0 : i32
    %cond3A_3 = arith.cmpi ne, %convert_element_type3A, %cond3A : i32
    scf.if %cond3A_3 {
      "tpu.region"() ({
        %run_scoped3A = tpu.sem_alloc : memref<!tpu.dma_semaphore, #tpu.memory_space<semaphore_mem>>
        tpu.enqueue_dma source(%arg2 : memref<64xi32, #tpu.memory_space<hbm>>) target(%arg5 : memref<64xi32, #tpu.memory_space<vmem>>) target_semaphore(%run_scoped3A : memref<!tpu.dma_semaphore, #tpu.memory_space<semaphore_mem>>)
        tpu.wait_dma2 semaphore(%run_scoped3A : memref<!tpu.dma_semaphore, #tpu.memory_space<semaphore_mem>>) src(%arg2 : memref<64xi32, #tpu.memory_space<hbm>>) dst(%arg5 : memref<64xi32, #tpu.memory_space<vmem>>)
        tpu.yield
      }) : () -> ()
      %iota3A = tpu.iota {dimensions = array<i32: 0>} : vector<16xi32>
      %broadcast_in_dim3A = arith.constant 0 : i32
      %broadcast_in_dim3A_4 = vector.broadcast %broadcast_in_dim3A : i32 to vector<16xi32>
      %broadcast_in_dim3A_5 = arith.constant 1 : i32
      %broadcast_in_dim3A_6 = vector.broadcast %broadcast_in_dim3A_5 : i32 to vector<16xi32>
      %swap3A = arith.constant 0 : index
      %swap3A_7 = tpu.vector_load %arg6[%swap3A] {strides = array<i32>} : memref<64xi32, #tpu.memory_space<vmem>>, vector<16xi32>,
      tpu.vector_store %arg6[%swap3A], %broadcast_in_dim3A_4 {strides = array<i32>} : memref<64xi32, #tpu.memory_space<vmem>>, vector<16xi32>,
      %swap3A_8 = arith.constant 16 : index
      %swap3A_9 = tpu.vector_load %arg6[%swap3A_8] {strides = array<i32>} : memref<64xi32, #tpu.memory_space<vmem>>, vector<16xi32>,
      tpu.vector_store %arg6[%swap3A_8], %broadcast_in_dim3A_4 {strides = array<i32>} : memref<64xi32, #tpu.memory_space<vmem>>, vector<16xi32>,
      %swap3A_10 = arith.constant 32 : index
      %swap3A_11 = tpu.vector_load %arg6[%swap3A_10] {strides = array<i32>} : memref<64xi32, #tpu.memory_space<vmem>>, vector<16xi32>,
      tpu.vector_store %arg6[%swap3A_10], %broadcast_in_dim3A_4 {strides = array<i32>} : memref<64xi32, #tpu.memory_space<vmem>>, vector<16xi32>,
      %swap3A_12 = arith.constant 48 : index
      %swap3A_13 = tpu.vector_load %arg6[%swap3A_12] {strides = array<i32>} : memref<64xi32, #tpu.memory_space<vmem>>, vector<16xi32>,
      tpu.vector_store %arg6[%swap3A_12], %broadcast_in_dim3A_4 {strides = array<i32>} : memref<64xi32, #tpu.memory_space<vmem>>, vector<16xi32>,
      %get3A = arith.constant 0 : index
      %get3A_14 = tpu.vector_load %arg5[%get3A] {strides = array<i32>} : memref<64xi32, #tpu.memory_space<vmem>>, vector<16xi32>,
      tpu.vector_store_idx %arg6[%get3A_14], %broadcast_in_dim3A_6 {add = true} : memref<64xi32, #tpu.memory_space<vmem>>[vector<16xi32>], vector<16xi32>,
      %get3A_15 = arith.constant 16 : index
      %get3A_16 = tpu.vector_load %arg5[%get3A_15] {strides = array<i32>} : memref<64xi32, #tpu.memory_space<vmem>>, vector<16xi32>,
      tpu.vector_store_idx %arg6[%get3A_16], %broadcast_in_dim3A_6 {add = true} : memref<64xi32, #tpu.memory_space<vmem>>[vector<16xi32>], vector<16xi32>,
      %get3A_17 = arith.constant 32 : index
      %get3A_18 = tpu.vector_load %arg5[%get3A_17] {strides = array<i32>} : memref<64xi32, #tpu.memory_space<vmem>>, vector<16xi32>,
      tpu.vector_store_idx %arg6[%get3A_18], %broadcast_in_dim3A_6 {add = true} : memref<64xi32, #tpu.memory_space<vmem>>[vector<16xi32>], vector<16xi32>,
      %get3A_19 = arith.constant 48 : index
      %get3A_20 = tpu.vector_load %arg5[%get3A_19] {strides = array<i32>} : memref<64xi32, #tpu.memory_space<vmem>>, vector<16xi32>,
      tpu.vector_store_idx %arg6[%get3A_20], %broadcast_in_dim3A_6 {add = true} : memref<64xi32, #tpu.memory_space<vmem>>[vector<16xi32>], vector<16xi32>,
      %get3A_21 = arith.constant 0 : index
      %get3A_22 = tpu.vector_load %arg6[%get3A_21] {strides = array<i32>} : memref<64xi32, #tpu.memory_space<vmem>>, vector<16xi32>,
      %gt3A = arith.constant 0 : i32
      %gt3A_23 = vector.broadcast %gt3A : i32 to vector<16xi32>
      %gt3A_24 = arith.cmpi sgt, %get3A_22, %gt3A_23 : vector<16xi32>
      %jit3A = arith.constant 1 : i32
      %jit3A_25 = arith.constant 0 : i32
      %broadcast_in_dim3A_26 = vector.broadcast %jit3A : i32 to vector<16xi32>
      %broadcast_in_dim3A_27 = vector.broadcast %jit3A_25 : i32 to vector<16xi32>
      %select_n3A = arith.select %gt3A_24, %broadcast_in_dim3A_26, %broadcast_in_dim3A_27 : vector<16xi1>, vector<16xi32>
      %broadcast_in_dim3A_28 = arith.constant true
      %broadcast_in_dim3A_29 = vector.broadcast %broadcast_in_dim3A_28 : i1 to vector<16xi1>
      %masked_cumsum3A = tpu.scan <sum>, %select_n3A masked %broadcast_in_dim3A_29 : vector<16xi32>, vector<16xi1> -> vector<16xi32>
      %sub3A = arith.subi %masked_cumsum3A, %select_n3A : vector<16xi32>
      %add3A = arith.constant 0 : i32
      %add3A_30 = vector.broadcast %add3A : i32 to vector<16xi32>
      %add3A_31 = arith.addi %sub3A, %add3A_30 : vector<16xi32>
      %swap3A_32 = arith.constant 0 : index
      %swap3A_33 = tpu.vector_load %arg7[%swap3A_32] {strides = array<i32>} : memref<64xi32, #tpu.memory_space<vmem>>, vector<16xi32>,
      tpu.vector_store %arg7[%swap3A_32], %add3A_31 {strides = array<i32>} : memref<64xi32, #tpu.memory_space<vmem>>, vector<16xi32>,
      %add3A_34 = arith.constant 0 : i32
      %add3A_35 = vector.broadcast %add3A_34 : i32 to vector<16xi32>
      %add3A_36 = arith.addi %iota3A, %add3A_35 : vector<16xi32>
      %gt3A_37 = arith.constant 0 : i32
      %gt3A_38 = vector.broadcast %gt3A_37 : i32 to vector<16xi32>
      %gt3A_39 = arith.cmpi sgt, %select_n3A, %gt3A_38 : vector<16xi32>
      %jit3A_40 = arith.constant -1 : i32
      %broadcast_in_dim3A_41 = vector.broadcast %jit3A_40 : i32 to vector<16xi32>
      %select_n3A_42 = arith.select %gt3A_39, %add3A_36, %broadcast_in_dim3A_41 : vector<16xi1>, vector<16xi32>
      %reduce_max3A = arith.constant true
      %reduce_max3A_43 = vector.broadcast %reduce_max3A : i1 to vector<16xi1>
      %reduce_max3A_44 = arith.constant -2147483648 : i32
      %reduce_max3A_45 = vector.broadcast %reduce_max3A_44 : i32 to vector<16xi32>
      %reduce_max3A_46 = arith.xori %select_n3A_42, %reduce_max3A_45 : vector<16xi32>
      %reduce_max3A_47 = tpu.scan <max>, %reduce_max3A_46 masked %reduce_max3A_43 : vector<16xi32>, vector<16xi1> -> vector<16xi32>
      %reduce_max3A_48 = arith.xori %reduce_max3A_47, %reduce_max3A_45 : vector<16xi32>
      %reduce_max3A_49 = vector.extract %reduce_max3A_48[15] : i32 from vector<16xi32>
      %max3A = arith.constant -1 : i32
      %max3A_50 = arith.maxsi %max3A, %reduce_max3A_49 : i32
      %reduce_sum3A = arith.constant true
      %reduce_sum3A_51 = vector.broadcast %reduce_sum3A : i1 to vector<16xi1>
      %reduce_sum3A_52 = tpu.scan <sum>, %select_n3A masked %reduce_sum3A_51 : vector<16xi32>, vector<16xi1> -> vector<16xi32>
      %reduce_sum3A_53 = vector.extract %reduce_sum3A_52[15] : i32 from vector<16xi32>
      %add3A_54 = arith.constant 0 : i32
      %add3A_55 = arith.addi %add3A_54, %reduce_sum3A_53 : i32
      %get3A_56 = arith.constant 16 : index
      %get3A_57 = tpu.vector_load %arg6[%get3A_56] {strides = array<i32>} : memref<64xi32, #tpu.memory_space<vmem>>, vector<16xi32>,
      %gt3A_58 = arith.constant 0 : i32
      %gt3A_59 = vector.broadcast %gt3A_58 : i32 to vector<16xi32>
      %gt3A_60 = arith.cmpi sgt, %get3A_57, %gt3A_59 : vector<16xi32>
      %jit3A_61 = arith.constant 1 : i32
      %jit3A_62 = arith.constant 0 : i32
      %broadcast_in_dim3A_63 = vector.broadcast %jit3A_61 : i32 to vector<16xi32>
      %broadcast_in_dim3A_64 = vector.broadcast %jit3A_62 : i32 to vector<16xi32>
      %select_n3A_65 = arith.select %gt3A_60, %broadcast_in_dim3A_63, %broadcast_in_dim3A_64 : vector<16xi1>, vector<16xi32>
      %broadcast_in_dim3A_66 = arith.constant true
      %broadcast_in_dim3A_67 = vector.broadcast %broadcast_in_dim3A_66 : i1 to vector<16xi1>
      %masked_cumsum3A_68 = tpu.scan <sum>, %select_n3A_65 masked %broadcast_in_dim3A_67 : vector<16xi32>, vector<16xi1> -> vector<16xi32>
      %sub3A_69 = arith.subi %masked_cumsum3A_68, %select_n3A_65 : vector<16xi32>
      %add3A_70 = vector.broadcast %add3A_55 : i32 to vector<16xi32>
      %add3A_71 = arith.addi %sub3A_69, %add3A_70 : vector<16xi32>
      %swap3A_72 = arith.constant 16 : index
      %swap3A_73 = tpu.vector_load %arg7[%swap3A_72] {strides = array<i32>} : memref<64xi32, #tpu.memory_space<vmem>>, vector<16xi32>,
      tpu.vector_store %arg7[%swap3A_72], %add3A_71 {strides = array<i32>} : memref<64xi32, #tpu.memory_space<vmem>>, vector<16xi32>,
      %add3A_74 = arith.constant 16 : i32
      %add3A_75 = vector.broadcast %add3A_74 : i32 to vector<16xi32>
      %add3A_76 = arith.addi %iota3A, %add3A_75 : vector<16xi32>
      %gt3A_77 = arith.constant 0 : i32
      %gt3A_78 = vector.broadcast %gt3A_77 : i32 to vector<16xi32>
      %gt3A_79 = arith.cmpi sgt, %select_n3A_65, %gt3A_78 : vector<16xi32>
      %jit3A_80 = arith.constant -1 : i32
      %broadcast_in_dim3A_81 = vector.broadcast %jit3A_80 : i32 to vector<16xi32>
      %select_n3A_82 = arith.select %gt3A_79, %add3A_76, %broadcast_in_dim3A_81 : vector<16xi1>, vector<16xi32>
      %reduce_max3A_83 = arith.constant true
      %reduce_max3A_84 = vector.broadcast %reduce_max3A_83 : i1 to vector<16xi1>
      %reduce_max3A_85 = arith.constant -2147483648 : i32
      %reduce_max3A_86 = vector.broadcast %reduce_max3A_85 : i32 to vector<16xi32>
      %reduce_max3A_87 = arith.xori %select_n3A_82, %reduce_max3A_86 : vector<16xi32>
      %reduce_max3A_88 = tpu.scan <max>, %reduce_max3A_87 masked %reduce_max3A_84 : vector<16xi32>, vector<16xi1> -> vector<16xi32>
      %reduce_max3A_89 = arith.xori %reduce_max3A_88, %reduce_max3A_86 : vector<16xi32>
      %reduce_max3A_90 = vector.extract %reduce_max3A_89[15] : i32 from vector<16xi32>
      %max3A_91 = arith.maxsi %max3A_50, %reduce_max3A_90 : i32
      %reduce_sum3A_92 = arith.constant true
      %reduce_sum3A_93 = vector.broadcast %reduce_sum3A_92 : i1 to vector<16xi1>
      %reduce_sum3A_94 = tpu.scan <sum>, %select_n3A_65 masked %reduce_sum3A_93 : vector<16xi32>, vector<16xi1> -> vector<16xi32>
      %reduce_sum3A_95 = vector.extract %reduce_sum3A_94[15] : i32 from vector<16xi32>
      %add3A_96 = arith.addi %add3A_55, %reduce_sum3A_95 : i32
      %get3A_97 = arith.constant 32 : index
      %get3A_98 = tpu.vector_load %arg6[%get3A_97] {strides = array<i32>} : memref<64xi32, #tpu.memory_space<vmem>>, vector<16xi32>,
      %gt3A_99 = arith.constant 0 : i32
      %gt3A_100 = vector.broadcast %gt3A_99 : i32 to vector<16xi32>
      %gt3A_101 = arith.cmpi sgt, %get3A_98, %gt3A_100 : vector<16xi32>
      %jit3A_102 = arith.constant 1 : i32
      %jit3A_103 = arith.constant 0 : i32
      %broadcast_in_dim3A_104 = vector.broadcast %jit3A_102 : i32 to vector<16xi32>
      %broadcast_in_dim3A_105 = vector.broadcast %jit3A_103 : i32 to vector<16xi32>
      %select_n3A_106 = arith.select %gt3A_101, %broadcast_in_dim3A_104, %broadcast_in_dim3A_105 : vector<16xi1>, vector<16xi32>
      %broadcast_in_dim3A_107 = arith.constant true
      %broadcast_in_dim3A_108 = vector.broadcast %broadcast_in_dim3A_107 : i1 to vector<16xi1>
      %masked_cumsum3A_109 = tpu.scan <sum>, %select_n3A_106 masked %broadcast_in_dim3A_108 : vector<16xi32>, vector<16xi1> -> vector<16xi32>
      %sub3A_110 = arith.subi %masked_cumsum3A_109, %select_n3A_106 : vector<16xi32>
      %add3A_111 = vector.broadcast %add3A_96 : i32 to vector<16xi32>
      %add3A_112 = arith.addi %sub3A_110, %add3A_111 : vector<16xi32>
      %swap3A_113 = arith.constant 32 : index
      %swap3A_114 = tpu.vector_load %arg7[%swap3A_113] {strides = array<i32>} : memref<64xi32, #tpu.memory_space<vmem>>, vector<16xi32>,
      tpu.vector_store %arg7[%swap3A_113], %add3A_112 {strides = array<i32>} : memref<64xi32, #tpu.memory_space<vmem>>, vector<16xi32>,
      %add3A_115 = arith.constant 32 : i32
      %add3A_116 = vector.broadcast %add3A_115 : i32 to vector<16xi32>
      %add3A_117 = arith.addi %iota3A, %add3A_116 : vector<16xi32>
      %gt3A_118 = arith.constant 0 : i32
      %gt3A_119 = vector.broadcast %gt3A_118 : i32 to vector<16xi32>
      %gt3A_120 = arith.cmpi sgt, %select_n3A_106, %gt3A_119 : vector<16xi32>
      %jit3A_121 = arith.constant -1 : i32
      %broadcast_in_dim3A_122 = vector.broadcast %jit3A_121 : i32 to vector<16xi32>
      %select_n3A_123 = arith.select %gt3A_120, %add3A_117, %broadcast_in_dim3A_122 : vector<16xi1>, vector<16xi32>
      %reduce_max3A_124 = arith.constant true
      %reduce_max3A_125 = vector.broadcast %reduce_max3A_124 : i1 to vector<16xi1>
      %reduce_max3A_126 = arith.constant -2147483648 : i32
      %reduce_max3A_127 = vector.broadcast %reduce_max3A_126 : i32 to vector<16xi32>
      %reduce_max3A_128 = arith.xori %select_n3A_123, %reduce_max3A_127 : vector<16xi32>
      %reduce_max3A_129 = tpu.scan <max>, %reduce_max3A_128 masked %reduce_max3A_125 : vector<16xi32>, vector<16xi1> -> vector<16xi32>
      %reduce_max3A_130 = arith.xori %reduce_max3A_129, %reduce_max3A_127 : vector<16xi32>
      %reduce_max3A_131 = vector.extract %reduce_max3A_130[15] : i32 from vector<16xi32>
      %max3A_132 = arith.maxsi %max3A_91, %reduce_max3A_131 : i32
      %reduce_sum3A_133 = arith.constant true
      %reduce_sum3A_134 = vector.broadcast %reduce_sum3A_133 : i1 to vector<16xi1>
      %reduce_sum3A_135 = tpu.scan <sum>, %select_n3A_106 masked %reduce_sum3A_134 : vector<16xi32>, vector<16xi1> -> vector<16xi32>
      %reduce_sum3A_136 = vector.extract %reduce_sum3A_135[15] : i32 from vector<16xi32>
      %add3A_137 = arith.addi %add3A_96, %reduce_sum3A_136 : i32
      %get3A_138 = arith.constant 48 : index
      %get3A_139 = tpu.vector_load %arg6[%get3A_138] {strides = array<i32>} : memref<64xi32, #tpu.memory_space<vmem>>, vector<16xi32>,
      %gt3A_140 = arith.constant 0 : i32
      %gt3A_141 = vector.broadcast %gt3A_140 : i32 to vector<16xi32>
      %gt3A_142 = arith.cmpi sgt, %get3A_139, %gt3A_141 : vector<16xi32>
      %jit3A_143 = arith.constant 1 : i32
      %jit3A_144 = arith.constant 0 : i32
      %broadcast_in_dim3A_145 = vector.broadcast %jit3A_143 : i32 to vector<16xi32>
      %broadcast_in_dim3A_146 = vector.broadcast %jit3A_144 : i32 to vector<16xi32>
      %select_n3A_147 = arith.select %gt3A_142, %broadcast_in_dim3A_145, %broadcast_in_dim3A_146 : vector<16xi1>, vector<16xi32>
      %broadcast_in_dim3A_148 = arith.constant true
      %broadcast_in_dim3A_149 = vector.broadcast %broadcast_in_dim3A_148 : i1 to vector<16xi1>
      %masked_cumsum3A_150 = tpu.scan <sum>, %select_n3A_147 masked %broadcast_in_dim3A_149 : vector<16xi32>, vector<16xi1> -> vector<16xi32>
      %sub3A_151 = arith.subi %masked_cumsum3A_150, %select_n3A_147 : vector<16xi32>
      %add3A_152 = vector.broadcast %add3A_137 : i32 to vector<16xi32>
      %add3A_153 = arith.addi %sub3A_151, %add3A_152 : vector<16xi32>
      %swap3A_154 = arith.constant 48 : index
      %swap3A_155 = tpu.vector_load %arg7[%swap3A_154] {strides = array<i32>} : memref<64xi32, #tpu.memory_space<vmem>>, vector<16xi32>,
      tpu.vector_store %arg7[%swap3A_154], %add3A_153 {strides = array<i32>} : memref<64xi32, #tpu.memory_space<vmem>>, vector<16xi32>,
      %add3A_156 = arith.constant 48 : i32
      %add3A_157 = vector.broadcast %add3A_156 : i32 to vector<16xi32>
      %add3A_158 = arith.addi %iota3A, %add3A_157 : vector<16xi32>
      %gt3A_159 = arith.constant 0 : i32
      %gt3A_160 = vector.broadcast %gt3A_159 : i32 to vector<16xi32>
      %gt3A_161 = arith.cmpi sgt, %select_n3A_147, %gt3A_160 : vector<16xi32>
      %jit3A_162 = arith.constant -1 : i32
      %broadcast_in_dim3A_163 = vector.broadcast %jit3A_162 : i32 to vector<16xi32>
      %select_n3A_164 = arith.select %gt3A_161, %add3A_158, %broadcast_in_dim3A_163 : vector<16xi1>, vector<16xi32>
      %reduce_max3A_165 = arith.constant true
      %reduce_max3A_166 = vector.broadcast %reduce_max3A_165 : i1 to vector<16xi1>
      %reduce_max3A_167 = arith.constant -2147483648 : i32
      %reduce_max3A_168 = vector.broadcast %reduce_max3A_167 : i32 to vector<16xi32>
      %reduce_max3A_169 = arith.xori %select_n3A_164, %reduce_max3A_168 : vector<16xi32>
      %reduce_max3A_170 = tpu.scan <max>, %reduce_max3A_169 masked %reduce_max3A_166 : vector<16xi32>, vector<16xi1> -> vector<16xi32>
      %reduce_max3A_171 = arith.xori %reduce_max3A_170, %reduce_max3A_168 : vector<16xi32>
      %reduce_max3A_172 = vector.extract %reduce_max3A_171[15] : i32 from vector<16xi32>
      %max3A_173 = arith.maxsi %max3A_132, %reduce_max3A_172 : i32
      %reduce_sum3A_174 = arith.constant true
      %reduce_sum3A_175 = vector.broadcast %reduce_sum3A_174 : i1 to vector<16xi1>
      %reduce_sum3A_176 = tpu.scan <sum>, %select_n3A_147 masked %reduce_sum3A_175 : vector<16xi32>, vector<16xi1> -> vector<16xi32>
      %reduce_sum3A_177 = vector.extract %reduce_sum3A_176[15] : i32 from vector<16xi32>
      %add3A_178 = arith.addi %add3A_137, %reduce_sum3A_177 : i32
      %add3A_179 = vector.broadcast %max3A_173 : i32 to vector<16xi32>
      %add3A_180 = arith.addi %broadcast_in_dim3A_4, %add3A_179 : vector<16xi32>
      %swap3A_181 = arith.constant 0 : index
      %swap3A_182 = tpu.vector_load %arg8[%swap3A_181] {strides = array<i32>} : memref<64xi32, #tpu.memory_space<vmem>>, vector<16xi32>,
      tpu.vector_store %arg8[%swap3A_181], %add3A_180 {strides = array<i32>} : memref<64xi32, #tpu.memory_space<vmem>>, vector<16xi32>,
      %add3A_183 = vector.broadcast %max3A_173 : i32 to vector<16xi32>
      %add3A_184 = arith.addi %broadcast_in_dim3A_4, %add3A_183 : vector<16xi32>
      %swap3A_185 = arith.constant 16 : index
      %swap3A_186 = tpu.vector_load %arg8[%swap3A_185] {strides = array<i32>} : memref<64xi32, #tpu.memory_space<vmem>>, vector<16xi32>,
      tpu.vector_store %arg8[%swap3A_185], %add3A_184 {strides = array<i32>} : memref<64xi32, #tpu.memory_space<vmem>>, vector<16xi32>,
      %add3A_187 = vector.broadcast %max3A_173 : i32 to vector<16xi32>
      %add3A_188 = arith.addi %broadcast_in_dim3A_4, %add3A_187 : vector<16xi32>
      %swap3A_189 = arith.constant 32 : index
      %swap3A_190 = tpu.vector_load %arg8[%swap3A_189] {strides = array<i32>} : memref<64xi32, #tpu.memory_space<vmem>>, vector<16xi32>,
      tpu.vector_store %arg8[%swap3A_189], %add3A_188 {strides = array<i32>} : memref<64xi32, #tpu.memory_space<vmem>>, vector<16xi32>,
      %add3A_191 = vector.broadcast %max3A_173 : i32 to vector<16xi32>
      %add3A_192 = arith.addi %broadcast_in_dim3A_4, %add3A_191 : vector<16xi32>
      %swap3A_193 = arith.constant 48 : index
      %swap3A_194 = tpu.vector_load %arg8[%swap3A_193] {strides = array<i32>} : memref<64xi32, #tpu.memory_space<vmem>>, vector<16xi32>,
      tpu.vector_store %arg8[%swap3A_193], %add3A_192 {strides = array<i32>} : memref<64xi32, #tpu.memory_space<vmem>>, vector<16xi32>,
      %get3A_195 = arith.constant 0 : index
      %get3A_196 = tpu.vector_load %arg6[%get3A_195] {strides = array<i32>} : memref<64xi32, #tpu.memory_space<vmem>>, vector<16xi32>,
      %gt3A_197 = arith.constant 0 : i32
      %gt3A_198 = vector.broadcast %gt3A_197 : i32 to vector<16xi32>
      %gt3A_199 = arith.cmpi sgt, %get3A_196, %gt3A_198 : vector<16xi32>
      %get3A_200 = arith.constant 0 : index
      %get3A_201 = tpu.vector_load %arg7[%get3A_200] {strides = array<i32>} : memref<64xi32, #tpu.memory_space<vmem>>, vector<16xi32>,
      %add3A_202 = arith.constant 0 : i32
      %add3A_203 = vector.broadcast %add3A_202 : i32 to vector<16xi32>
      %add3A_204 = arith.addi %iota3A, %add3A_203 : vector<16xi32>
      tpu.vector_store_idx %arg8[%get3A_201], %add3A_204 masked %gt3A_199 : memref<64xi32, #tpu.memory_space<vmem>>[vector<16xi32>], vector<16xi32>, vector<16xi1>
      %get3A_205 = arith.constant 16 : index
      %get3A_206 = tpu.vector_load %arg6[%get3A_205] {strides = array<i32>} : memref<64xi32, #tpu.memory_space<vmem>>, vector<16xi32>,
      %gt3A_207 = arith.constant 0 : i32
      %gt3A_208 = vector.broadcast %gt3A_207 : i32 to vector<16xi32>
      %gt3A_209 = arith.cmpi sgt, %get3A_206, %gt3A_208 : vector<16xi32>
      %get3A_210 = arith.constant 16 : index
      %get3A_211 = tpu.vector_load %arg7[%get3A_210] {strides = array<i32>} : memref<64xi32, #tpu.memory_space<vmem>>, vector<16xi32>,
      %add3A_212 = arith.constant 16 : i32
      %add3A_213 = vector.broadcast %add3A_212 : i32 to vector<16xi32>
      %add3A_214 = arith.addi %iota3A, %add3A_213 : vector<16xi32>
      tpu.vector_store_idx %arg8[%get3A_211], %add3A_214 masked %gt3A_209 : memref<64xi32, #tpu.memory_space<vmem>>[vector<16xi32>], vector<16xi32>, vector<16xi1>
      %get3A_215 = arith.constant 32 : index
      %get3A_216 = tpu.vector_load %arg6[%get3A_215] {strides = array<i32>} : memref<64xi32, #tpu.memory_space<vmem>>, vector<16xi32>,
      %gt3A_217 = arith.constant 0 : i32
      %gt3A_218 = vector.broadcast %gt3A_217 : i32 to vector<16xi32>
      %gt3A_219 = arith.cmpi sgt, %get3A_216, %gt3A_218 : vector<16xi32>
      %get3A_220 = arith.constant 32 : index
      %get3A_221 = tpu.vector_load %arg7[%get3A_220] {strides = array<i32>} : memref<64xi32, #tpu.memory_space<vmem>>, vector<16xi32>,
      %add3A_222 = arith.constant 32 : i32
      %add3A_223 = vector.broadcast %add3A_222 : i32 to vector<16xi32>
      %add3A_224 = arith.addi %iota3A, %add3A_223 : vector<16xi32>
      tpu.vector_store_idx %arg8[%get3A_221], %add3A_224 masked %gt3A_219 : memref<64xi32, #tpu.memory_space<vmem>>[vector<16xi32>], vector<16xi32>, vector<16xi1>
      %get3A_225 = arith.constant 48 : index
      %get3A_226 = tpu.vector_load %arg6[%get3A_225] {strides = array<i32>} : memref<64xi32, #tpu.memory_space<vmem>>, vector<16xi32>,
      %gt3A_227 = arith.constant 0 : i32
      %gt3A_228 = vector.broadcast %gt3A_227 : i32 to vector<16xi32>
      %gt3A_229 = arith.cmpi sgt, %get3A_226, %gt3A_228 : vector<16xi32>
      %get3A_230 = arith.constant 48 : index
      %get3A_231 = tpu.vector_load %arg7[%get3A_230] {strides = array<i32>} : memref<64xi32, #tpu.memory_space<vmem>>, vector<16xi32>,
      %add3A_232 = arith.constant 48 : i32
      %add3A_233 = vector.broadcast %add3A_232 : i32 to vector<16xi32>
      %add3A_234 = arith.addi %iota3A, %add3A_233 : vector<16xi32>
      tpu.vector_store_idx %arg8[%get3A_231], %add3A_234 masked %gt3A_229 : memref<64xi32, #tpu.memory_space<vmem>>[vector<16xi32>], vector<16xi32>, vector<16xi1>
      %add3A_235 = vector.broadcast %add3A_178 : i32 to vector<16xi32>
      %add3A_236 = arith.addi %broadcast_in_dim3A_4, %add3A_235 : vector<16xi32>
      %swap3A_237 = arith.constant 0 : index
      %swap3A_238 = tpu.vector_load %arg9[%swap3A_237] {strides = array<i32>} : memref<16xi32, #tpu.memory_space<vmem>>, vector<16xi32>,
      tpu.vector_store %arg9[%swap3A_237], %add3A_236 {strides = array<i32>} : memref<16xi32, #tpu.memory_space<vmem>>, vector<16xi32>,
      "tpu.region"() ({
        %run_scoped3A = tpu.sem_alloc : memref<!tpu.dma_semaphore, #tpu.memory_space<semaphore_mem>>
        tpu.enqueue_dma source(%arg8 : memref<64xi32, #tpu.memory_space<vmem>>) target(%arg3 : memref<64xi32, #tpu.memory_space<hbm>>) target_semaphore(%run_scoped3A : memref<!tpu.dma_semaphore, #tpu.memory_space<semaphore_mem>>)
        tpu.wait_dma2 semaphore(%run_scoped3A : memref<!tpu.dma_semaphore, #tpu.memory_space<semaphore_mem>>) src(%arg8 : memref<64xi32, #tpu.memory_space<vmem>>) dst(%arg3 : memref<64xi32, #tpu.memory_space<hbm>>)
        tpu.yield
      }) : () -> ()
      "tpu.region"() ({
        %run_scoped3A = tpu.sem_alloc : memref<!tpu.dma_semaphore, #tpu.memory_space<semaphore_mem>>
        tpu.enqueue_dma source(%arg9 : memref<16xi32, #tpu.memory_space<vmem>>) target(%arg4 : memref<16xi32, #tpu.memory_space<hbm>>) target_semaphore(%run_scoped3A : memref<!tpu.dma_semaphore, #tpu.memory_space<semaphore_mem>>)
        tpu.wait_dma2 semaphore(%run_scoped3A : memref<!tpu.dma_semaphore, #tpu.memory_space<semaphore_mem>>) src(%arg9 : memref<16xi32, #tpu.memory_space<vmem>>) dst(%arg4 : memref<16xi32, #tpu.memory_space<hbm>>)
        tpu.yield
      }) : () -> ()
    } else {
    }
    return
  }
}

module attributes {stable_mosaic.version = 14 : i64} {
  func.func @_routing_body(%arg0: memref<32x1024xf32, #tpu.memory_space<vmem>>, %arg1: memref<1024x64xf32, #tpu.memory_space<vmem>>, %arg2: memref<32x2xi32, #tpu.memory_space<vmem>>, %arg3: memref<32x2xf32, #tpu.memory_space<vmem>>) attributes {dimension_semantics = [], scalar_prefetch = 0 : i64, scratch_operands = 0 : i64, tpu.core_type = #tpu.core_type<tc>} {
    %get3A = arith.constant 0 : index
    %get3A_0 = arith.constant 0 : index
    %get3A_1 = vector.load %arg0[%get3A, %get3A_0] : memref<32x1024xf32, #tpu.memory_space<vmem>>, vector<32x1024xf32>
    %get3A_2 = arith.constant 0 : index
    %get3A_3 = arith.constant 0 : index
    %get3A_4 = vector.load %arg1[%get3A_2, %get3A_3] : memref<1024x64xf32, #tpu.memory_space<vmem>>, vector<1024x64xf32>
    %dot_general3A = arith.constant dense<0.000000e+00> : vector<32x64xf32>
    %dot_general3A_5 = tpu.matmul %get3A_1, %get3A_4, %dot_general3A {dimension_numbers = #tpu.dot_dimension_numbers<[1], [0], [0], [1], [0, 0, 1, 1], [], []>, transpose_lhs_hint = false} : vector<32x1024xf32>, vector<1024x64xf32>, vector<32x64xf32> -> vector<32x64xf32>
    %reduce_max3A = arith.constant dense<0xFF800000> : vector<32xf32>
    %reduce_max3A_6 = vector.multi_reduction <maximumf>, %dot_general3A_5, %reduce_max3A [1] : vector<32x64xf32> to vector<32xf32>
    %broadcast_in_dim3A = vector.shape_cast %reduce_max3A_6 : vector<32xf32> to vector<32x1xf32>
    %sub3A = vector.broadcast %broadcast_in_dim3A : vector<32x1xf32> to vector<32x64xf32>
    %sub3A_7 = arith.subf %dot_general3A_5, %sub3A : vector<32x64xf32>
    %exp3A = math.exp %sub3A_7 : vector<32x64xf32>
    %reduce_sum3A = arith.constant dense<0.000000e+00> : vector<32xf32>
    %reduce_sum3A_8 = vector.multi_reduction <add>, %exp3A, %reduce_sum3A [1] : vector<32x64xf32> to vector<32xf32>
    %broadcast_in_dim3A_9 = vector.shape_cast %reduce_sum3A_8 : vector<32xf32> to vector<32x1xf32>
    %div3A = vector.broadcast %broadcast_in_dim3A_9 : vector<32x1xf32> to vector<32x64xf32>
    %div3A_10 = arith.divf %exp3A, %div3A : vector<32x64xf32>
    %iota3A = tpu.iota {dimensions = array<i32: 1>} : vector<32x64xi32>
    %reduce_max3A_11 = arith.constant dense<0xFF800000> : vector<32xf32>
    %reduce_max3A_12 = vector.multi_reduction <maximumf>, %div3A_10, %reduce_max3A_11 [1] : vector<32x64xf32> to vector<32xf32>
    %broadcast_in_dim3A_13 = vector.shape_cast %reduce_max3A_12 : vector<32xf32> to vector<32x1xf32>
    %eq3A = vector.broadcast %broadcast_in_dim3A_13 : vector<32x1xf32> to vector<32x64xf32>
    %eq3A_14 = arith.cmpf oeq, %div3A_10, %eq3A : vector<32x64xf32>
    %jit3A = arith.constant 64 : i32
    %broadcast_in_dim3A_15 = vector.broadcast %jit3A : i32 to vector<32x64xi32>
    %select_n3A = arith.select %eq3A_14, %iota3A, %broadcast_in_dim3A_15 : vector<32x64xi1>, vector<32x64xi32>
    %reduce_min3A = arith.constant dense<2147483647> : vector<32xi32>
    %reduce_min3A_16 = vector.multi_reduction <minsi>, %select_n3A, %reduce_min3A [1] : vector<32x64xi32> to vector<32xi32>
    %broadcast_in_dim3A_17 = vector.shape_cast %reduce_min3A_16 : vector<32xi32> to vector<32x1xi32>
    %eq3A_18 = vector.broadcast %broadcast_in_dim3A_17 : vector<32x1xi32> to vector<32x64xi32>
    %eq3A_19 = arith.cmpi eq, %iota3A, %eq3A_18 : vector<32x64xi32>
    %jit3A_20 = arith.constant 0xFF800000 : f32
    %broadcast_in_dim3A_21 = vector.broadcast %jit3A_20 : f32 to vector<32x64xf32>
    %select_n3A_22 = arith.select %eq3A_19, %broadcast_in_dim3A_21, %div3A_10 : vector<32x64xi1>, vector<32x64xf32>
    %reduce_max3A_23 = arith.constant dense<0xFF800000> : vector<32xf32>
    %reduce_max3A_24 = vector.multi_reduction <maximumf>, %select_n3A_22, %reduce_max3A_23 [1] : vector<32x64xf32> to vector<32xf32>
    %broadcast_in_dim3A_25 = vector.shape_cast %reduce_max3A_24 : vector<32xf32> to vector<32x1xf32>
    %eq3A_26 = vector.broadcast %broadcast_in_dim3A_25 : vector<32x1xf32> to vector<32x64xf32>
    %eq3A_27 = arith.cmpf oeq, %select_n3A_22, %eq3A_26 : vector<32x64xf32>
    %jit3A_28 = arith.constant 64 : i32
    %broadcast_in_dim3A_29 = vector.broadcast %jit3A_28 : i32 to vector<32x64xi32>
    %select_n3A_30 = arith.select %eq3A_27, %iota3A, %broadcast_in_dim3A_29 : vector<32x64xi1>, vector<32x64xi32>
    %reduce_min3A_31 = arith.constant dense<2147483647> : vector<32xi32>
    %reduce_min3A_32 = vector.multi_reduction <minsi>, %select_n3A_30, %reduce_min3A_31 [1] : vector<32x64xi32> to vector<32xi32>
    %broadcast_in_dim3A_33 = vector.shape_cast %reduce_min3A_32 : vector<32xi32> to vector<32x1xi32>
    %add3A = arith.addf %broadcast_in_dim3A_13, %broadcast_in_dim3A_25 : vector<32x1xf32>
    %add3A_34 = arith.constant 9.99999968E-21 : f32
    %add3A_35 = vector.broadcast %add3A_34 : f32 to vector<32x1xf32>
    %add3A_36 = arith.addf %add3A, %add3A_35 : vector<32x1xf32>
    %div3A_37 = arith.divf %broadcast_in_dim3A_13, %add3A_36 : vector<32x1xf32>
    %mul3A = arith.constant 2.500000e+00 : f32
    %mul3A_38 = vector.broadcast %mul3A : f32 to vector<32x1xf32>
    %mul3A_39 = arith.mulf %div3A_37, %mul3A_38 : vector<32x1xf32>
    %div3A_40 = arith.divf %broadcast_in_dim3A_25, %add3A_36 : vector<32x1xf32>
    %mul3A_41 = arith.constant 2.500000e+00 : f32
    %mul3A_42 = vector.broadcast %mul3A_41 : f32 to vector<32x1xf32>
    %mul3A_43 = arith.mulf %div3A_40, %mul3A_42 : vector<32x1xf32>
    %concatenate3A = tpu.concatenate %broadcast_in_dim3A_17, %broadcast_in_dim3A_33 in 1 : vector<32x1xi32>, vector<32x1xi32> -> vector<32x2xi32>
    %swap3A = arith.constant 0 : index
    %swap3A_44 = arith.constant 0 : index
    %swap3A_45 = vector.load %arg2[%swap3A, %swap3A_44] : memref<32x2xi32, #tpu.memory_space<vmem>>, vector<32x2xi32>
    tpu.vector_store %arg2[%swap3A, %swap3A_44], %concatenate3A {strides = array<i32>} : memref<32x2xi32, #tpu.memory_space<vmem>>, vector<32x2xi32>,
    %concatenate3A_46 = tpu.concatenate %mul3A_39, %mul3A_43 in 1 : vector<32x1xf32>, vector<32x1xf32> -> vector<32x2xf32>
    %swap3A_47 = arith.constant 0 : index
    %swap3A_48 = arith.constant 0 : index
    %swap3A_49 = vector.load %arg3[%swap3A_47, %swap3A_48] : memref<32x2xf32, #tpu.memory_space<vmem>>, vector<32x2xf32>
    tpu.vector_store %arg3[%swap3A_47, %swap3A_48], %concatenate3A_46 {strides = array<i32>} : memref<32x2xf32, #tpu.memory_space<vmem>>, vector<32x2xf32>,
    return
  }
}

module attributes {stable_mosaic.version = 14 : i64} {
  func.func @_shared_body(%arg0: memref<32x1024xf32, #tpu.memory_space<vmem>>, %arg1: memref<1024x2048xf32, #tpu.memory_space<vmem>>, %arg2: memref<1024x2048xf32, #tpu.memory_space<vmem>>, %arg3: memref<2048x1024xf32, #tpu.memory_space<vmem>>, %arg4: memref<32x1024xf32, #tpu.memory_space<vmem>>) attributes {dimension_semantics = [], scalar_prefetch = 0 : i64, scratch_operands = 0 : i64, tpu.core_type = #tpu.core_type<tc>} {
    %get3A = arith.constant 0 : index
    %get3A_0 = arith.constant 0 : index
    %get3A_1 = vector.load %arg0[%get3A, %get3A_0] : memref<32x1024xf32, #tpu.memory_space<vmem>>, vector<32x1024xf32>
    %convert_element_type3A = arith.truncf %get3A_1 : vector<32x1024xf32> to vector<32x1024xbf16>
    %get3A_2 = arith.constant 0 : index
    %get3A_3 = arith.constant 0 : index
    %get3A_4 = vector.load %arg1[%get3A_2, %get3A_3] : memref<1024x2048xf32, #tpu.memory_space<vmem>>, vector<1024x2048xf32>
    %convert_element_type3A_5 = arith.truncf %get3A_4 : vector<1024x2048xf32> to vector<1024x2048xbf16>
    %dot_general3A = arith.constant dense<0.000000e+00> : vector<32x2048xf32>
    %dot_general3A_6 = tpu.matmul %convert_element_type3A, %convert_element_type3A_5, %dot_general3A {dimension_numbers = #tpu.dot_dimension_numbers<[1], [0], [0], [1], [0, 0, 1, 1], [], []>, transpose_lhs_hint = false} : vector<32x1024xbf16>, vector<1024x2048xbf16>, vector<32x2048xf32> -> vector<32x2048xf32>
    %get3A_7 = arith.constant 0 : index
    %get3A_8 = arith.constant 0 : index
    %get3A_9 = vector.load %arg2[%get3A_7, %get3A_8] : memref<1024x2048xf32, #tpu.memory_space<vmem>>, vector<1024x2048xf32>
    %convert_element_type3A_10 = arith.truncf %get3A_9 : vector<1024x2048xf32> to vector<1024x2048xbf16>
    %dot_general3A_11 = arith.constant dense<0.000000e+00> : vector<32x2048xf32>
    %dot_general3A_12 = tpu.matmul %convert_element_type3A, %convert_element_type3A_10, %dot_general3A_11 {dimension_numbers = #tpu.dot_dimension_numbers<[1], [0], [0], [1], [0, 0, 1, 1], [], []>, transpose_lhs_hint = false} : vector<32x1024xbf16>, vector<1024x2048xbf16>, vector<32x2048xf32> -> vector<32x2048xf32>
    %logistic3A = arith.negf %dot_general3A_6 : vector<32x2048xf32>
    %logistic3A_13 = math.exp %logistic3A : vector<32x2048xf32>
    %logistic3A_14 = arith.constant 1.000000e+00 : f32
    %logistic3A_15 = vector.broadcast %logistic3A_14 : f32 to vector<32x2048xf32>
    %logistic3A_16 = arith.addf %logistic3A_15, %logistic3A_13 : vector<32x2048xf32>
    %logistic3A_17 = arith.divf %logistic3A_15, %logistic3A_16 : vector<32x2048xf32>
    %mul3A = arith.mulf %dot_general3A_6, %logistic3A_17 : vector<32x2048xf32>
    %mul3A_18 = arith.mulf %mul3A, %dot_general3A_12 : vector<32x2048xf32>
    %convert_element_type3A_19 = arith.truncf %mul3A_18 : vector<32x2048xf32> to vector<32x2048xbf16>
    %get3A_20 = arith.constant 0 : index
    %get3A_21 = arith.constant 0 : index
    %get3A_22 = vector.load %arg3[%get3A_20, %get3A_21] : memref<2048x1024xf32, #tpu.memory_space<vmem>>, vector<2048x1024xf32>
    %convert_element_type3A_23 = arith.truncf %get3A_22 : vector<2048x1024xf32> to vector<2048x1024xbf16>
    %dot_general3A_24 = arith.constant dense<0.000000e+00> : vector<32x1024xf32>
    %dot_general3A_25 = tpu.matmul %convert_element_type3A_19, %convert_element_type3A_23, %dot_general3A_24 {dimension_numbers = #tpu.dot_dimension_numbers<[1], [0], [0], [1], [0, 0, 1, 1], [], []>, transpose_lhs_hint = false} : vector<32x2048xbf16>, vector<2048x1024xbf16>, vector<32x1024xf32> -> vector<32x1024xf32>
    %swap3A = arith.constant 0 : index
    %swap3A_26 = arith.constant 0 : index
    %swap3A_27 = vector.load %arg4[%swap3A, %swap3A_26] : memref<32x1024xf32, #tpu.memory_space<vmem>>, vector<32x1024xf32>
    tpu.vector_store %arg4[%swap3A, %swap3A_26], %dot_general3A_25 {strides = array<i32>} : memref<32x1024xf32, #tpu.memory_space<vmem>>, vector<32x1024xf32>,
    return
  }
}

module attributes {stable_mosaic.version = 14 : i64} {
  func.func @_expert_body(%arg0: i32, %arg1: memref<64xi32, #tpu.memory_space<smem>>, %arg2: memref<1xi32, #tpu.memory_space<smem>>, %arg3: memref<32x1024xf32, #tpu.memory_space<vmem>>, %arg4: memref<1x1024x512xf32, #tpu.memory_space<vmem>>, %arg5: memref<1x1024x512xf32, #tpu.memory_space<vmem>>, %arg6: memref<1x512x1024xf32, #tpu.memory_space<vmem>>, %arg7: memref<32x2xi32, #tpu.memory_space<vmem>>, %arg8: memref<32x2xf32, #tpu.memory_space<vmem>>, %arg9: memref<32x1024xf32, #tpu.memory_space<vmem>>, %arg10: memref<32x1024xf32, #tpu.memory_space<vmem>>) attributes {dimension_semantics = [#tpu.dimension_semantics<arbitrary>], iteration_bounds = array<i64: 64>, scalar_prefetch = 2 : i64, scratch_operands = 0 : i64, tpu.core_type = #tpu.core_type<tc>, window_params = [{pipeline_mode = #tpu.pipeline_mode<synchronous>, transform_indices = @transform_0, window_bounds = array<i64: 32, 1024>}, {transform_indices = @transform_1, window_bounds = array<i64: 1, 1024, 512>}, {transform_indices = @transform_2, window_bounds = array<i64: 1, 1024, 512>}, {transform_indices = @transform_3, window_bounds = array<i64: 1, 512, 1024>}, {pipeline_mode = #tpu.pipeline_mode<synchronous>, transform_indices = @transform_4, window_bounds = array<i64: 32, 2>}, {pipeline_mode = #tpu.pipeline_mode<synchronous>, transform_indices = @transform_5, window_bounds = array<i64: 32, 2>}, {pipeline_mode = #tpu.pipeline_mode<synchronous>, transform_indices = @transform_6, window_bounds = array<i64: 32, 1024>}, {pipeline_mode = #tpu.pipeline_mode<synchronous>, transform_indices = @transform_7, window_bounds = array<i64: 32, 1024>}]} {
    %eq3A = arith.constant 0 : i32
    %eq3A_0 = arith.cmpi eq, %arg0, %eq3A : i32
    %convert_element_type3A = arith.extui %eq3A_0 : i1 to i32
    %cond3A = arith.constant 0 : i32
    %cond3A_1 = arith.cmpi ne, %convert_element_type3A, %cond3A : i32
    scf.if %cond3A_1 {
      %get3A_6 = arith.constant 0 : index
      %get3A_7 = arith.constant 0 : index
      %get3A_8 = vector.load %arg9[%get3A_6, %get3A_7] : memref<32x1024xf32, #tpu.memory_space<vmem>>, vector<32x1024xf32>
      %swap3A = arith.constant 0 : index
      %swap3A_9 = arith.constant 0 : index
      %swap3A_10 = vector.load %arg10[%swap3A, %swap3A_9] : memref<32x1024xf32, #tpu.memory_space<vmem>>, vector<32x1024xf32>
      tpu.vector_store %arg10[%swap3A, %swap3A_9], %get3A_8 {strides = array<i32>} : memref<32x1024xf32, #tpu.memory_space<vmem>>, vector<32x1024xf32>,
    } else {
    }
    %get3A = arith.constant 0 : index
    %get3A_2 = memref.load %arg2[%get3A] : memref<1xi32, #tpu.memory_space<smem>>
    %lt3A = arith.cmpi slt, %arg0, %get3A_2 : i32
    %convert_element_type3A_3 = arith.extui %lt3A : i1 to i32
    %cond3A_4 = arith.constant 0 : i32
    %cond3A_5 = arith.cmpi ne, %convert_element_type3A_3, %cond3A_4 : i32
    scf.if %cond3A_5 {
      %get3A_6 = arith.index_cast %arg0 : i32 to index
      %get3A_7 = memref.load %arg1[%get3A_6] : memref<64xi32, #tpu.memory_space<smem>>
      %get3A_8 = arith.constant 0 : index
      %get3A_9 = arith.constant 0 : index
      %get3A_10 = vector.load %arg3[%get3A_8, %get3A_9] : memref<32x1024xf32, #tpu.memory_space<vmem>>, vector<32x1024xf32>
      %convert_element_type3A_11 = arith.truncf %get3A_10 : vector<32x1024xf32> to vector<32x1024xbf16>
      %get3A_12 = arith.constant 0 : index
      %get3A_13 = arith.constant 0 : index
      %get3A_14 = arith.constant 0 : index
      %get3A_15 = vector.load %arg4[%get3A_12, %get3A_13, %get3A_14] : memref<1x1024x512xf32, #tpu.memory_space<vmem>>, vector<1x1024x512xf32>
      %get3A_16 = vector.shape_cast %get3A_15 : vector<1x1024x512xf32> to vector<1024x512xf32>
      %convert_element_type3A_17 = arith.truncf %get3A_16 : vector<1024x512xf32> to vector<1024x512xbf16>
      %dot_general3A = arith.constant dense<0.000000e+00> : vector<32x512xf32>
      %dot_general3A_18 = tpu.matmul %convert_element_type3A_11, %convert_element_type3A_17, %dot_general3A {dimension_numbers = #tpu.dot_dimension_numbers<[1], [0], [0], [1], [0, 0, 1, 1], [], []>, transpose_lhs_hint = false} : vector<32x1024xbf16>, vector<1024x512xbf16>, vector<32x512xf32> -> vector<32x512xf32>
      %get3A_19 = arith.constant 0 : index
      %get3A_20 = arith.constant 0 : index
      %get3A_21 = arith.constant 0 : index
      %get3A_22 = vector.load %arg5[%get3A_19, %get3A_20, %get3A_21] : memref<1x1024x512xf32, #tpu.memory_space<vmem>>, vector<1x1024x512xf32>
      %get3A_23 = vector.shape_cast %get3A_22 : vector<1x1024x512xf32> to vector<1024x512xf32>
      %convert_element_type3A_24 = arith.truncf %get3A_23 : vector<1024x512xf32> to vector<1024x512xbf16>
      %dot_general3A_25 = arith.constant dense<0.000000e+00> : vector<32x512xf32>
      %dot_general3A_26 = tpu.matmul %convert_element_type3A_11, %convert_element_type3A_24, %dot_general3A_25 {dimension_numbers = #tpu.dot_dimension_numbers<[1], [0], [0], [1], [0, 0, 1, 1], [], []>, transpose_lhs_hint = false} : vector<32x1024xbf16>, vector<1024x512xbf16>, vector<32x512xf32> -> vector<32x512xf32>
      %logistic3A = arith.negf %dot_general3A_18 : vector<32x512xf32>
      %logistic3A_27 = math.exp %logistic3A : vector<32x512xf32>
      %logistic3A_28 = arith.constant 1.000000e+00 : f32
      %logistic3A_29 = vector.broadcast %logistic3A_28 : f32 to vector<32x512xf32>
      %logistic3A_30 = arith.addf %logistic3A_29, %logistic3A_27 : vector<32x512xf32>
      %logistic3A_31 = arith.divf %logistic3A_29, %logistic3A_30 : vector<32x512xf32>
      %mul3A = arith.mulf %dot_general3A_18, %logistic3A_31 : vector<32x512xf32>
      %mul3A_32 = arith.mulf %mul3A, %dot_general3A_26 : vector<32x512xf32>
      %convert_element_type3A_33 = arith.truncf %mul3A_32 : vector<32x512xf32> to vector<32x512xbf16>
      %get3A_34 = arith.constant 0 : index
      %get3A_35 = arith.constant 0 : index
      %get3A_36 = arith.constant 0 : index
      %get3A_37 = vector.load %arg6[%get3A_34, %get3A_35, %get3A_36] : memref<1x512x1024xf32, #tpu.memory_space<vmem>>, vector<1x512x1024xf32>
      %get3A_38 = vector.shape_cast %get3A_37 : vector<1x512x1024xf32> to vector<512x1024xf32>
      %convert_element_type3A_39 = arith.truncf %get3A_38 : vector<512x1024xf32> to vector<512x1024xbf16>
      %dot_general3A_40 = arith.constant dense<0.000000e+00> : vector<32x1024xf32>
      %dot_general3A_41 = tpu.matmul %convert_element_type3A_33, %convert_element_type3A_39, %dot_general3A_40 {dimension_numbers = #tpu.dot_dimension_numbers<[1], [0], [0], [1], [0, 0, 1, 1], [], []>, transpose_lhs_hint = false} : vector<32x512xbf16>, vector<512x1024xbf16>, vector<32x1024xf32> -> vector<32x1024xf32>
      %get3A_42 = arith.constant 0 : index
      %get3A_43 = arith.constant 0 : index
      %get3A_44 = vector.load %arg7[%get3A_42, %get3A_43] : memref<32x2xi32, #tpu.memory_space<vmem>>, vector<32x2xi32>
      %eq3A_45 = vector.broadcast %get3A_7 : i32 to vector<32x2xi32>
      %eq3A_46 = arith.cmpi eq, %get3A_44, %eq3A_45 : vector<32x2xi32>
      %get3A_47 = arith.constant 0 : index
      %get3A_48 = arith.constant 0 : index
      %get3A_49 = vector.load %arg8[%get3A_47, %get3A_48] : memref<32x2xf32, #tpu.memory_space<vmem>>, vector<32x2xf32>
      %jit3A = arith.constant 0.000000e+00 : f32
      %broadcast_in_dim3A = vector.broadcast %jit3A : f32 to vector<32x2xf32>
      %select_n3A = arith.select %eq3A_46, %get3A_49, %broadcast_in_dim3A : vector<32x2xi1>, vector<32x2xf32>
      %reduce_sum3A = arith.constant dense<0.000000e+00> : vector<32xf32>
      %reduce_sum3A_50 = vector.multi_reduction <add>, %select_n3A, %reduce_sum3A [1] : vector<32x2xf32> to vector<32xf32>
      %broadcast_in_dim3A_51 = vector.shape_cast %reduce_sum3A_50 : vector<32xf32> to vector<32x1xf32>
      %get3A_52 = arith.constant 0 : index
      %get3A_53 = arith.constant 0 : index
      %get3A_54 = vector.load %arg10[%get3A_52, %get3A_53] : memref<32x1024xf32, #tpu.memory_space<vmem>>, vector<32x1024xf32>
      %mul3A_55 = vector.broadcast %broadcast_in_dim3A_51 : vector<32x1xf32> to vector<32x1024xf32>
      %mul3A_56 = arith.mulf %dot_general3A_41, %mul3A_55 : vector<32x1024xf32>
      %add3A = arith.addf %get3A_54, %mul3A_56 : vector<32x1024xf32>
      %swap3A = arith.constant 0 : index
      %swap3A_57 = arith.constant 0 : index
      %swap3A_58 = vector.load %arg10[%swap3A, %swap3A_57] : memref<32x1024xf32, #tpu.memory_space<vmem>>, vector<32x1024xf32>
      tpu.vector_store %arg10[%swap3A, %swap3A_57], %add3A {strides = array<i32>} : memref<32x1024xf32, #tpu.memory_space<vmem>>, vector<32x1024xf32>,
    } else {
    }
    return
  }
  func.func @transform_0(%arg0: i32, %arg1: memref<64xi32, #tpu.memory_space<smem>>, %arg2: memref<1xi32, #tpu.memory_space<smem>>) -> (i32, i32) {
    %c0_i32 = arith.constant 0 : i32
    %c0_i32_0 = arith.constant 0 : i32
    %c0_i32_1 = arith.constant 0 : i32
    return %c0_i32, %c0_i32_0 : i32, i32
  }
  func.func @transform_1(%arg0: i32, %arg1: memref<64xi32, #tpu.memory_space<smem>>, %arg2: memref<1xi32, #tpu.memory_space<smem>>) -> (i32, i32, i32) {
    %get3A = arith.index_cast %arg0 : i32 to index
    %get3A_0 = memref.load %arg1[%get3A] : memref<64xi32, #tpu.memory_space<smem>>
    %c0_i32 = arith.constant 0 : i32
    %c0_i32_1 = arith.constant 0 : i32
    %c0_i32_2 = arith.constant 0 : i32
    return %get3A_0, %c0_i32, %c0_i32_1 : i32, i32, i32
  }
  func.func @transform_2(%arg0: i32, %arg1: memref<64xi32, #tpu.memory_space<smem>>, %arg2: memref<1xi32, #tpu.memory_space<smem>>) -> (i32, i32, i32) {
    %get3A = arith.index_cast %arg0 : i32 to index
    %get3A_0 = memref.load %arg1[%get3A] : memref<64xi32, #tpu.memory_space<smem>>
    %c0_i32 = arith.constant 0 : i32
    %c0_i32_1 = arith.constant 0 : i32
    %c0_i32_2 = arith.constant 0 : i32
    return %get3A_0, %c0_i32, %c0_i32_1 : i32, i32, i32
  }
  func.func @transform_3(%arg0: i32, %arg1: memref<64xi32, #tpu.memory_space<smem>>, %arg2: memref<1xi32, #tpu.memory_space<smem>>) -> (i32, i32, i32) {
    %get3A = arith.index_cast %arg0 : i32 to index
    %get3A_0 = memref.load %arg1[%get3A] : memref<64xi32, #tpu.memory_space<smem>>
    %c0_i32 = arith.constant 0 : i32
    %c0_i32_1 = arith.constant 0 : i32
    %c0_i32_2 = arith.constant 0 : i32
    return %get3A_0, %c0_i32, %c0_i32_1 : i32, i32, i32
  }
  func.func @transform_4(%arg0: i32, %arg1: memref<64xi32, #tpu.memory_space<smem>>, %arg2: memref<1xi32, #tpu.memory_space<smem>>) -> (i32, i32) {
    %c0_i32 = arith.constant 0 : i32
    %c0_i32_0 = arith.constant 0 : i32
    %c0_i32_1 = arith.constant 0 : i32
    return %c0_i32, %c0_i32_0 : i32, i32
  }
  func.func @transform_5(%arg0: i32, %arg1: memref<64xi32, #tpu.memory_space<smem>>, %arg2: memref<1xi32, #tpu.memory_space<smem>>) -> (i32, i32) {
    %c0_i32 = arith.constant 0 : i32
    %c0_i32_0 = arith.constant 0 : i32
    %c0_i32_1 = arith.constant 0 : i32
    return %c0_i32, %c0_i32_0 : i32, i32
  }
  func.func @transform_6(%arg0: i32, %arg1: memref<64xi32, #tpu.memory_space<smem>>, %arg2: memref<1xi32, #tpu.memory_space<smem>>) -> (i32, i32) {
    %c0_i32 = arith.constant 0 : i32
    %c0_i32_0 = arith.constant 0 : i32
    %c0_i32_1 = arith.constant 0 : i32
    return %c0_i32, %c0_i32_0 : i32, i32
  }
  func.func @transform_7(%arg0: i32, %arg1: memref<64xi32, #tpu.memory_space<smem>>, %arg2: memref<1xi32, #tpu.memory_space<smem>>) -> (i32, i32) {
    %c0_i32 = arith.constant 0 : i32
    %c0_i32_0 = arith.constant 0 : i32
    %c0_i32_1 = arith.constant 0 : i32
    return %c0_i32, %c0_i32_0 : i32, i32
  }
}

</mosaic_0001>

<sc_bundles>
// kernel: kernel.6.cloned.1.call-start
scs
__scs_entry_jumppad:
0x0: {  	(pc) =	sbr.rel $0x88, $3  }
0x1: {  	(tag) =	ssettag $0x0;
	lr =	simm.s32 $0x1  }
0x2: {  	[smem:$0x3F99] =	sst lr;
	_ =	strace $0xD0000000  }
0x3: {  	_ = 	snop  }
0x4: {  	_ = 	snop  }
0x5: {  	_ = 	snop  }
0x6: {  	_ = 	snop  }
0x7: {  	_ = 	snop  }
__scs_overlays_trampoline_lowered:
0x8: {  	[smem:$0x3FA8] =	sst s0  }
0x9: {  	[smem:$0x3FA9] =	sst s1  }
0xa: {  	[smem:$0x3FAA] =	sst s2  }
0xb: {  	[smem:$0x3FAB] =	sst s3  }
0xc: {  	[smem:$0x3FAC] =	sst s4  }
0xd: {  	[smem:$0x3FAD] =	sst s5  }
0xe: {  	[smem:$0x3FAE] =	sst s6  }
0xf: {  	[smem:$0x3FAF] =	sst s7  }
0x10: {  	[smem:$0x3FB0] =	sst s8  }
0x11: {  	[smem:$0x3FB1] =	sst s9;
	s0 =	simm.s32 @!p0 $0x0  }
0x12: {  	s1 =	sld [smem:$0x3F97];
	s0 =	simm.s32 @p0 $0x1  }
0x13: {  	[smem:$0x3FB2] =	sst s0;
	s0 =	simm.s32 @!p1 $0x0  }
0x14: {  	s2 =	sld [smem:$0x3F96];
	s0 =	simm.s32 @p1 $0x1  }
0x15: {  	[smem:$0x3FB3] =	sst s0;
	s0 =	simm.s32 @!p2 $0x0  }
0x16: {  	s3 =	sld [smem:$0x3FDB];
	s0 =	simm.s32 @p2 $0x1  }
0x17: {  	s4 =	simm.s32 $0x1BF5;
	[smem:$0x3FB5] =	sst s0  }
0x18: {  	s0 =	sld [smem:$0x3F98];
	_ =	swait.ge [sflag:s4], $0x0  }
0x19: {  	s7 =	sld [smem:$0x3F99]  }
0x1a: {  	s8 =	sadd.s32 $0xFFFFE003, lr  }
0x1b: {  	s9 =	sadd.s32 $0xFFFFFEF7, lr;
	s5 =	simm.s32 $0xFFFFFFFF;
	p2 =	slt.u32 s8, $0xFFFFF086  }
0x1c: {  	p1 =	slt.u32 s9, $0xF7A;
	s5 =	simm.s32 @!p2 $0x0  }
0x1d: {  	s5 =	simm.s32 @p1 $0x1;
	p0 =	seq.s32 s7, s2  }
0x1e: {  	s7 =	smul.u32 @!p0 $0xF7A, s2;
	p2 =	seq.s32 @!p0 s5, $0x0  }
0x1f: {  	s9 =	smul.u32 $0xF7A, s1;
	s8 =	simm.s32 @!p0 $0x1BF5;
	p2 =	por !p2, p0  }
0x20: {  	[sflag:s8] =	ssyncset.s32 @!p0 $0xFFFFF086;
	s6 =	sadd.s32 @!p0 s3, s7;
	s7 =	simm.s32 @!p0 $0x108  }
0x21: {  	s3 =	sadd.s32 s3, s9;
	s6 =	sadd.s32 @!p0 $0x88, s6;
	s7 =	simm.s32 @p2 $0x1082  }
0x22: {  	[simem:s7], [sflag:s8] =	dma.local @!p0 [hbm:s6], $0xF7A  }
0x23: {  	s9 =	sor.u32 $0xD0000000, s2;
	s6 =	simm.s32 $0x108;
	_ =	swait.ge @!p0 [sflag:s8], $0x0  }
0x24: {  	s3 =	sadd.s32 $0x88, s3;
	s6 =	simm.s32 @!p1 $0x1082;
	[sflag:s4] =	ssyncset.s32 $0xFFFFF086  }
0x25: {  	[simem:s6], [sflag:s4] =	dma.local [hbm:s3], $0xF7A  }
0x26: {  	[smem:$0x3F99] =	sst s1;
	(tag) =	ssettag s2;
	_ =	strace s9  }
0x27: {  	s1 =	sld [smem:$0x3FA9]  }
0x28: {  	s2 =	sld [smem:$0x3FAA]  }
0x29: {  	s4 =	sld [smem:$0x3FAC]  }
0x2a: {  	p0 =	seq.s32 s5, $0x0;
	s5 =	sld [smem:$0x3FAD]  }
0x2b: {  	s6 =	sld [smem:$0x3FAE]  }
0x2c: {  	s7 =	sld [smem:$0x3FAF]  }
0x2d: {  	s3 =	simm.s32 $0x108;
	s8 =	sld [smem:$0x3FB0]  }
0x2e: {  	s3 =	simm.s32 @!p0 $0x1082;
	s9 =	sld [smem:$0x3FB1]  }
0x2f: {  	lr =	sadd.s32 s0, s3;
	s0 =	sld [smem:$0x3FA8]  }
0x30: {  	s3 =	sld [smem:$0x3FAB]  }
0x31: {  	[smem:$0x3FB4] =	sst s10  }
0x32: {  	s10 =	sld [smem:$0x3FB2];
	_ =	sdelay $0x3  }
0x33: {  	p0 =	seq.s32 s10, $0x1;
	s10 =	sld [smem:$0x3FB4];
	_ =	sdelay $0x3  }
0x34: {  	[smem:$0x3FB4] =	sst s10  }
0x35: {  	s10 =	sld [smem:$0x3FB3];
	_ =	sdelay $0x3  }
0x36: {  	p1 =	seq.s32 s10, $0x1;
	s10 =	sld [smem:$0x3FB4];
	_ =	sdelay $0x3  }
0x37: {  	[smem:$0x3FB4] =	sst s10  }
0x38: {  	s10 =	sld [smem:$0x3FB5]  }
0x39: {  	_ = 	snop;
	(pc) =	sbr.ind lr, $3  }
0x3a: {  	_ = 	snop  }
0x3b: {  	_ = 	snop  }
0x3c: {  	p2 =	seq.s32 s10, $0x1;
	s10 =	sld [smem:$0x3FB4]  }
0x3d: {  	_ =	shalt  }
0x3e: {  	_ =	shalt  }
0x3f: {  	_ =	shalt  }
0x40: {  	_ =	shalt  }
0x41: {  	_ =	shalt  }
0x42: {  	_ =	shalt  }
0x43: {  	_ =	shalt  }
0x44: {  	_ =	shalt  }
0x45: {  	_ =	shalt  }
0x46: {  	_ =	shalt  }
0x47: {  	_ =	shalt  }
0x48: {  	_ =	shalt  }
0x49: {  	_ =	shalt  }
0x4a: {  	_ =	shalt  }
0x4b: {  	_ =	shalt  }
0x4c: {  	_ =	shalt  }
0x4d: {  	_ =	shalt  }
0x4e: {  	_ =	shalt  }
0x4f: {  	_ =	shalt  }
0x50: {  	_ =	shalt  }
0x51: {  	_ =	shalt  }
0x52: {  	_ =	shalt  }
0x53: {  	_ =	shalt  }
0x54: {  	_ =	shalt  }
0x55: {  	_ =	shalt  }
0x56: {  	_ =	shalt  }
0x57: {  	_ =	shalt  }
0x58: {  	_ =	shalt  }
0x59: {  	_ =	shalt  }
0x5a: {  	_ =	shalt  }
0x5b: {  	_ =	shalt  }
0x5c: {  	_ =	shalt  }
0x5d: {  	_ =	shalt  }
0x5e: {  	_ =	shalt  }
0x5f: {  	_ =	shalt  }
0x60: {  	_ =	shalt  }
0x61: {  	_ =	shalt  }
0x62: {  	_ =	shalt  }
0x63: {  	_ =	shalt  }
0x64: {  	_ =	shalt  }
0x65: {  	_ =	shalt  }
0x66: {  	_ =	shalt  }
0x67: {  	_ =	shalt  }
0x68: {  	_ =	shalt  }
0x69: {  	_ =	shalt  }
0x6a: {  	_ =	shalt  }
0x6b: {  	_ =	shalt  }
0x6c: {  	_ =	shalt  }
0x6d: {  	_ =	shalt  }
0x6e: {  	_ =	shalt  }
0x6f: {  	_ =	shalt  }
0x70: {  	_ =	shalt  }
0x71: {  	_ =	shalt  }
0x72: {  	_ =	shalt  }
0x73: {  	_ =	shalt  }
0x74: {  	_ =	shalt  }
0x75: {  	_ =	shalt  }
0x76: {  	_ =	shalt  }
0x77: {  	_ =	shalt  }
0x78: {  	_ =	shalt  }
0x79: {  	_ =	shalt  }
0x7a: {  	_ =	shalt  }
0x7b: {  	_ =	shalt  }
0x7c: {  	_ =	shalt  }
0x7d: {  	_ =	shalt  }
0x7e: {  	_ =	shalt  }
0x7f: {  	_ =	shalt  }
0x80: {  	_ =	shalt  }
0x81: {  	_ =	shalt  }
0x82: {  	_ =	shalt  }
0x83: {  	_ =	shalt  }
0x84: {  	_ =	shalt  }
0x85: {  	_ =	shalt  }
0x86: {  	_ =	shalt  }
0x87: {  	_ =	shalt  }
.Lfunc_end0:
.L_simem_size_0:
called_computation_lowered:
.L_overlay_start_0:
0x88: {  	s2 =	sld [smem:$0x3FD9]  }
0x89: {  	s3 =	sld [smem:$0x3FFE];
	_ =	sdelay $0x1  }
0x8a: {  	s1 =	srdreg.scid  }
0x8b: {  	s0 =	sand.u32 $0x1, s1  }
0x8c: {  	s17 =	sshll.u32 s0, $0xA;
	s2 =	sadd.s32 s3, s2  }
0x8d: {  	s2 =	sadd.s32 s2, s17  }
0x8e: {  	[smem:$0x3FC0] =	sst s2  }
0x8f: {  	_ = 	snop  }
0x90: {  	s2 =	sld [smem:$0x3FD0];
	(tm) =	ssettm $0x1  }
0x91: {  	s18 =	sld [smem:$0x3FFB];
	_ =	sdelay $0x3  }
0x92: {  	_ =	strace s18  }
0x93: {  	s3 =	sld [smem:$0x3FFC];
	_ =	sdelay $0x3  }
0x94: {  	_ =	strace s3  }
0x95: {  	s3 =	sld [smem:$0x3FFD];
	_ =	sdelay $0x3  }
0x96: {  	_ =	strace s3  }
0x97: {  	_ =	strace $0x8FFFFFFF  }
0x98: {  	s19 =	sld [smem:$0x3FDB];
	_ =	sdelay $0x1  }
0x99: {  	s4 =	simm.s32 $_scs_section_size  }
0x9a: {  	s5 =	simm.s32 $_size__tile_overlayer_lowered;
	s6 =	simm.s32 $_tile_overlayer_lowered  }
0x9b: {  	s22 =	simm.s32 $0x1BFF;
	s21 =	sshll.u32 s6, $0x1;
	s3 =	sadd.s32 s4, s19  }
0x9c: {  	s7 =	simm.s32 $0x0;
	s20 =	sshll.u32 s5, $0x1;
	s5 =	sadd.s32 s21, s3  }
0x9d: {  	[timem:s7], [sflag:s22] =	dma.local [hbm:s5], s20  }
0x9e: {  	_ =	swait.ge [sflag:s22], s20  }
0x9f: {  	s4 =	ssub.s32 $0x0, s20;
	[sflag:s22] =	ssyncset.done $0x0  }
0xa0: {  	[sflag:s22] =	ssyncadd.s32 s4;
	_ =	sdelay $0x1  }
0xa1: {  	s23 =	simm.s32 $0x1B8B  }
0xa2: {  	_ =	swait.ge [sflag:s23], $0x1  }
0xa3: {  	[sflag:s23] =	ssyncset.done $0x0  }
0xa4: {  	s25 =	simm.s32 $0x1B8E;
	s24 =	sld [smem:$0x3FFE];
	[sflag:s23] =	ssyncadd.s32 $0xFFFFFFFF  }
0xa5: {  	s26 =	simm.s32 $execute0_lowered;
	[smem:$0x3FD2] =	sst s25  }
0xa6: {  	s5 =	sshll.u32 s26, $0x1;
	_ =	strace $0x80000046;
	[dreg:$0x1] =	wrdreg $0xFFFFFFFF  }
0xa7: {  	s28 =	simm.s32 $_size_execute0_lowered;
	s3 =	sadd.s32 s3, s5;
	[dreg:$0x0] =	wrdreg $0x0  }
0xa8: {  	s5 =	sshll.u32 s28, $0x1;
	[dreg:$0x2] =	wrdreg s3  }
0xa9: {  	[dreg:$0x3] =	wrdreg s5  }
0xaa: {  	[dreg:$0x4] =	wrdreg $0xC0  }
0xab: {  	_ =	task [dreg:s7], $0x5FFFF  }
0xac: {  	[dreg:$0x1] =	wrdreg $0xFFFFFFFF  }
0xad: {  	[dreg:$0x0] =	wrdreg $0x60  }
0xae: {  	[dreg:$0x2] =	wrdreg s2  }
0xaf: {  	[dreg:$0x3] =	wrdreg s24  }
0xb0: {  	[dreg:$0x4] =	wrdreg $0x9  }
0xb1: {  	_ =	task.clear_ibuf [dreg:s7], $0x5FFFF;
	_ =	strace $0x90000046  }
0xb2: {  	s29 =	simm.s32 $0x9;
	_ =	strace $0x80000048  }
0xb3: {  	_ =	swait.ge [sflag:s29], $0x1  }
0xb4: {  	[sflag:s29] =	ssyncadd.s32 $0xFFFFFFFF  }
0xb5: {  	_ =	strace $0x90000048  }
0xb6: {  	_ =	sfence  }
0xb7: {  	s30 =	sld [smem:$0x0];
	_ =	sdelay $0x2  }
0xb8: {  	s31 =	sshll.u32 s1, $0xD;
	s1 =	sshrl.u32 s1, $0x2  }
0xb9: {  	s3 =	sand.u32 $0x4000, s31;
	s1 =	sadd.s32 s1, s30  }
0xba: {  	s0 =	sor.u32 s3, s0;
	s1 =	sshll.u32 s1, $0x11  }
0xbb: {  	s0 =	sor.u32 s1, s0  }
0xbc: {  	s0 =	sadd.s32 $0x8F2B, s0  }
0xbd: {  	[sflag:s0] =	ssyncadd.remote.s32 $0x1  }
0xbe: {  	_ =	sfence.sel $0xFFFF  }
0xbf: {  	[dreg:$0x0] =	wrdreg $0xFFFFFFFF;
	(pc) =	sbr.abs _section_cstart, $3  }
0xc0: {  	[dreg:$0x1] =	wrdreg $0xFFFFFFFF  }
0xc1: {  	_ =	task.clear_ibuf [dreg:s7], $0x2FFFF;
	_ =	strace $0x9FFFFFFF  }
0xc2: {  	(tm) =	ssettm $0x7FFFFFFF  }
0xc3: {  	_ =	shalt  }
tec
execute0_lowered:
.L_overlay_start_1:
0x0: {  	(tag) =	ssettag $0x1  }
0x1: {  	s0 =	srdreg.scid  }
0x2: {  	s3 =	sand.u32 $0x1, s0;
	s0 =	stileid.u32  }
0x3: {  	s5 =	sor.u32 s0, s3  }
0x4: {  	p0 =	sne.s32 s5, $0x0  }
.Ltmp0:
0x5: {  	_ = 	snop;
	(pc) =	sbr.rel @p0 .LBB2_3-.Ltmp0, $4  }
0x6: {  	_ = 	snop  }
0x7: {  	s2 =	rddreg [dreg:$0x0]  }
0x8: {  	s4 =	rddreg [dreg:$0x1]  }
0x9: {  	s1 =	rddreg [dreg:$0x2];
	_ =	strace $0x80000047  }
0xa: {  	s5 =	ssub.s32 $0x2, s3;
	v0 =	vlaneseq.u32  }
0xb: {  	s3 =	sadd.s32 $0x1200, s4;
	s4 =	sadd.s32 $0x1400, s4;
	v1 =	vimm.s32 $0x0;
	v2 =	vimm.s32 $0x1;
	s9 =	simm.s32 $0x180;
	v3 =	vor.u32 $0x80000000, v0  }
0xc: {  	s7 =	simm.s32 $0x1;
	s8 =	simm.s32 $0x80;
	s6 =	sshrl.u32 s5, $0x1;
	v4 =	vor.u32 $0x80000010, v0;
	v5 =	vor.u32 $0x80000020, v0;
	v6 =	vor.u32 $0x80000030, v0  }
0xd: {  	s10 =	simm.s32 $0x200;
	v7 =	vor.u32 $0x10, v0;
	v8 =	vor.u32 $0x20, v0;
	v9 =	vor.u32 $0x30, v0;
	s5 =	ssub.s32 s5, s6;
	s6 =	simm.s32 $0x0  }
.LBB2_2:
0xe: {  	[tilespmem:s6], [sflag:$0x1] =	stream.linear.gather [hbm4b:s2+s6], $0x80, $0x38;
	[tilespmem:$0x280] =	vst v63  }
0xf: {  	_ =	swait.ge [sflag:s7], $0x80  }
0x10: {  	[sflag:s7] =	ssyncset.done $0x0  }
0x11: {  	[sflag:s7] =	ssyncadd.s32 $0xFFFFFF80  }
0x12: {  	v10 =	vld [tilespmem:$0x0];
	_ =	sdelay $0x3  }
0x13: {  	[tilespmem:$0x80] =	vst v1  }
0x14: {  	[tilespmem:$0x90] =	vst v1  }
0x15: {  	[tilespmem:$0xA0] =	vst v1  }
0x16: {  	[tilespmem:$0xB0] =	vst v1  }
0x17: {  	[tilespmem:v10+s8+$0x0] =	vst.idx.add.s32.msk $0xffff, v2  }
0x18: {  	v10 =	vld [tilespmem:$0x10];
	_ =	sdelay $0x7  }
0x19: {  	[tilespmem:v10+s8+$0x0] =	vst.idx.add.s32.msk $0xffff, v2  }
0x1a: {  	v10 =	vld [tilespmem:$0x20];
	_ =	sdelay $0x7  }
0x1b: {  	[tilespmem:v10+s8+$0x0] =	vst.idx.add.s32.msk $0xffff, v2  }
0x1c: {  	v10 =	vld [tilespmem:$0x30];
	_ =	sdelay $0x7  }
0x1d: {  	[tilespmem:v10+s8+$0x0] =	vst.idx.add.s32.msk $0xffff, v2  }
0x1e: {  	v10 =	vld [tilespmem:$0x80];
	_ =	sdelay $0x1  }
0x1f: {  	v11 =	vld [tilespmem:$0x90];
	_ =	sdelay $0x1  }
0x20: {  	v12 =	vld [tilespmem:$0xA0]  }
0x21: {  	vm0 =	vgt.s32 v10, $0x0  }
0x22: {  	v13 =	vld [tilespmem:$0xB0];
	v10 =	vsel vm0, $0x1, v1  }
0x23: {  	vm1 =	vgt.s32 v11, $0x0;
	v14 =	vnsel vm0, $0x7FFFFFFF, v3;
	(xrf0) =	vadd.scan.msk.s32 $0xffff, v10  }
0x24: {  	v11 =	vsel vm1, $0x1, v1;
	(xrf0) =	vmax.scan.msk.u32 $0xffff, v14  }
0x25: {  	vm2 =	vgt.s32 v12, $0x0;
	(xrf0) =	vadd.scan.msk.s32 $0xffff, v11;
	v11 =	vnsel vm1, $0x7FFFFFFF, v4  }
0x26: {  	(xrf0) =	vmax.scan.msk.u32 $0xffff, v11;
	v11 =	vsel vm2, $0x1, v1  }
0x27: {  	vm11 =	vgt.s32 v13, $0x0;
	(xrf0) =	vadd.scan.msk.s32 $0xffff, v11;
	v11 =	vnsel vm2, $0x7FFFFFFF, v5  }
0x28: {  	(xrf0) =	vmax.scan.msk.u32 $0xffff, v11;
	v11 =	vsel vm11, $0x1, v1  }
0x29: {  	v54, _, _ =	vpop (xrf0);
	(xrf0) =	vadd.scan.msk.s32 $0xffff, v11;
	v11 =	vnsel vm11, $0x7FFFFFFF, v6;
	_ =	sdelay $0x1  }
0x2a: {  	v55, _, _ =	vpop (xrf0);
	(xrf0) =	vmax.scan.msk.u32 $0xffff, v11  }
0x2b: {  	(v2sf) =	vpush v55, $0xF;
	v11, _, _ =	vpop (xrf0)  }
0x2c: {  	(v2sf) =	vpush v54, $0xF;
	v56, _, _ =	vpop (xrf0)  }
0x2d: {  	v57, _, _ =	vpop (xrf0);
	(v2sf) =	vpush v56, $0xF  }
0x2e: {  	v58, _, _ =	vpop (xrf0);
	(v2sf) =	vpush v11, $0xF  }
0x2f: {  	v15, _, _ =	vpop (xrf0);
	(v2sf) =	vpush v58, $0xF  }
0x30: {  	(v2sf) =	vpush v57, $0xF;
	v59, _, _ =	vpop (xrf0)  }
0x31: {  	(v2sf) =	vpush v59, $0xF;
	_ =	sdelay $0x8  }
0x32: {  	s11 =	spop (v2sf)  }
0x33: {  	s12 =	spop (v2sf)  }
0x34: {  	s13 =	spop (v2sf)  }
0x35: {  	s11 =	sxor.u32 $0x80000000, s11;
	s14 =	spop (v2sf);
	s13 =	sxor.u32 $0x80000000, s13  }
0x36: {  	s15 =	spop (v2sf);
	p0 =	sgt.s32 s11, s13  }
0x37: {  	s16 =	spop (v2sf);
	s13 =	smov.u32 @p0 s11;
	s11 =	sxor.u32 $0x80000000, s15  }
0x38: {  	v16 =	vld [tilespmem:$0x80];
	v60 =	vbroadcast v54, $0xF;
	p0 =	sgt.s32 s13, s11;
	s28 =	spop (v2sf)  }
0x39: {  	v17 =	vsel vm1, $0xFFFFFFFF, v1;
	v10 =	vsub.s32 v54, v10;
	s11 =	smov.u32 @p0 s13;
	s13 =	sxor.u32 $0x80000000, s28  }
0x3a: {  	v61 =	vsel vm2, $0xFFFFFFFF, v1;
	[tilespmem:$0x100] =	vst v10;
	v10 =	vadd.s32 v17, v60;
	p0 =	sgt.s32 s11, s13  }
0x3b: {  	v62 =	vsel vm11, $0xFFFFFFFF, v1;
	v63 =	vld [tilespmem:$0x100];
	v10 =	vadd.s32 v11, v10;
	v11 =	vadd.s32 v61, v57;
	s12 =	sadd.s32 s12, s14;
	s13 =	smov.u32 @p0 s11  }
0x3c: {  	[tilespmem:$0x110] =	vst v10;
	v10 =	vadd.s32 s12, v11;
	v11 =	vadd.s32 v62, v15;
	s29 =	sadd.s32 s12, s16;
	s30 =	sshra.s32 s13, $0x1F  }
0x3d: {  	vm12 =	vgt.s32 v16, $0x0;
	[tilespmem:$0x120] =	vst v10;
	v10 =	vadd.s32 s29, v11;
	s12 =	sor.u32 s30, s13  }
0x3e: {  	[tilespmem:$0x130] =	vst v10;
	v10 =	vmov s12  }
0x3f: {  	[tilespmem:$0x180] =	vst v10  }
0x40: {  	[tilespmem:$0x190] =	vst v10  }
0x41: {  	[tilespmem:$0x1A0] =	vst v10  }
0x42: {  	[tilespmem:$0x1B0] =	vst v10  }
0x43: {  	[tilespmem:v63+s9+$0x0] =	vst.idx.msk vm12, v0  }
0x44: {  	v10 =	vld [tilespmem:$0x90];
	_ =	sdelay $0x2  }
0x45: {  	v11 =	vld [tilespmem:$0x110];
	_ =	sdelay $0x1  }
0x46: {  	vm13 =	vgt.s32 v10, $0x0;
	_ =	sdelay $0x5  }
0x47: {  	[tilespmem:v11+s9+$0x0] =	vst.idx.msk vm13, v7  }
0x48: {  	v10 =	vld [tilespmem:$0xA0];
	_ =	sdelay $0x2  }
0x49: {  	v11 =	vld [tilespmem:$0x120];
	_ =	sdelay $0x1  }
0x4a: {  	vm14 =	vgt.s32 v10, $0x0  }
0x4b: {  	(v2sf) =	vpush v15, $0xF;
	_ =	sdelay $0x4  }
0x4c: {  	[tilespmem:v11+s9+$0x0] =	vst.idx.msk vm14, v8  }
0x4d: {  	v10 =	vld [tilespmem:$0xB0];
	_ =	sdelay $0x2  }
0x4e: {  	v11 =	vld [tilespmem:$0x130];
	_ =	sdelay $0x1  }
0x4f: {  	vm15 =	vgt.s32 v10, $0x0;
	_ =	sdelay $0x3  }
0x50: {  	s31 =	spop (v2sf)  }
0x51: {  	s11 =	sadd.s32 s29, s31  }
0x52: {  	v10 =	vmov s11;
	[tilespmem:v11+s9+$0x0] =	vst.idx.msk vm15, v9  }
0x53: {  	[tilespmem:$0x200] =	vst v10  }
0x54: {  	[hbm4b:s3+s6] =	stream.linear.scatter [tilespmem:s9], [sflag:$0x1], $0x80, $0x38;
	[tilespmem:$0x280] =	vst v63  }
0x55: {  	_ =	swait.ge [sflag:s7], $0x80  }
0x56: {  	p0 =	sne.s32 s5, $0x1;
	[sflag:s7] =	ssyncset.done $0x0  }
.Ltmp1:
0x57: {  	[sflag:s7] =	ssyncadd.s32 $0xFFFFFF80;
	(pc) =	sbr.rel @p0 .LBB2_2-.Ltmp1, $4  }
0x58: {  	[hbm4b:s4+s6] =	stream.linear.scatter [tilespmem:s10], [sflag:$0x1], $0x80, $0x38;
	[tilespmem:$0x280] =	vst v63  }
0x59: {  	_ =	swait.ge [sflag:s7], $0x80  }
0x5a: {  	[sflag:s7] =	ssyncset.done $0x0  }
0x5b: {  	s5 =	sadd.s32 $0xFFFFFFFF, s5;
	[sflag:s7] =	ssyncadd.s32 $0xFFFFFF80  }
.LBB2_3:
0x5c: {  	_ =	sfence.sel $0x180000  }
0x5d: {  	[bflag:$0x0] =	sbarrier.arrive $0xFFFF  }
0x5e: {  	p0 =	sne.s32 s0, $0x0;
	_ =	strace $0x90000047  }
0x5f: {  	s0 =	sadd.s32 @!p0 $0x100000, s1;
	[bflag:$0x2] =	sbarrier.arrive $0xFFFF  }
0x60: {  	[sflag:s0] =	ssyncadd.tile.s32 @!p0 $0x1;
	_ =	shalt  }
.Lfunc_end2:
_tile_overlayer_lowered:
.L_overlay_start_2:
0x61: {  	(tag) =	ssettag $0x2  }
0x62: {  	s0 =	rddreg [dreg:$0x0];
	s2 =	stileid.u32  }
0x63: {  	s1 =	rddreg [dreg:$0x1];
	p0 =	sne.s32 s2, $0x0  }
0x64: {  	s3 =	rddreg [dreg:$0x2];
	[bflag:$0x3] =	sbarrier.arrive $0xFFFF;
	s2 =	simm.s32 @!p0 $0x1C01  }
0x65: {  	[timem:s3], [sflag:s2] =	dma.local @!p0 [hbm:s0], s1  }
0x66: {  	s0 =	simm.s32 @!p0 $0x1  }
0x67: {  	_ =	swait.ge @!p0 [sflag:s0], s1  }
0x68: {  	s1 =	ssub.s32 @!p0 $0x0, s1;
	[sflag:s0] =	ssyncset.done @!p0 $0x0  }
0x69: {  	[sflag:s0] =	ssyncadd.s32 @!p0 s1  }
0x6a: {  	[bflag:$0x3] =	sbarrier.arrive $0xFFFF  }
0x6b: {  	_ =	shalt  }

</sc_bundles>
